<compile_context>
chip_gen: v7x
topology: tpu7x:2x2x1
jax: 0.10.2.dev20260603
libtpu: 0.0.44.dev20260713+nightly
codegen_flags: <defaults>
</compile_context>

<pallas_src>
import jax
import jax.numpy as jnp
from jax import lax
from jax.experimental import pallas as pl
from jax.experimental.pallas import tpu as pltpu
from jax.experimental.pallas import tpu_sc as plsc

_N = 10000
_D = 128
_E = 320000
_NC = 2
_NS = 16
_L = 16
_CHUNK = 128
_NCHUNK = 80
_EPT = _NCHUNK * _CHUNK
_EPAD = _NC * _NS * _EPT
_TOT = _EPAD // _CHUNK
_NP = 10240
_RPT = _NP // _NS


def _bn_relu_body(x_ref, g_ref, b_ref, h_ref):
    xv = x_ref[...]
    mu = jnp.mean(xv, axis=0, keepdims=True)
    var = jnp.mean((xv - mu) ** 2, axis=0, keepdims=True)
    h = (xv - mu) / jnp.sqrt(var + 1e-5) * g_ref[...] + b_ref[...]
    h_ref[...] = jnp.maximum(h, 0.0)


def _bn_relu(x2d, gamma, beta):
    return pl.pallas_call(
        _bn_relu_body,
        out_shape=jax.ShapeDtypeStruct((_N, _D), jnp.float32),
    )(x2d, gamma.reshape(1, _D), beta.reshape(1, _D))


def _fill_rows(rows_v, val):
    def body(r, carry):
        for f in range(_D // _L):
            rows_v[r, pl.ds(f * _L, _L)] = jnp.full((_L,), val, jnp.float32)
        return carry

    lax.fori_loop(0, _CHUNK, body, 0, unroll=False)


def _sc_body(h_hbm, ed_hbm, adj_hbm,
             agg_out, deg_out,
             idx_v, ei0, ei1, d0, d1, a0, a1, r0v, r1v, agg_sh,
             sd0, sd1, sa0, sa1, sg0, sg1, ss0, ss1, sem):
    c = lax.axis_index("c")
    s = lax.axis_index("s")
    r0 = s * _RPT
    o0 = c * _NP + r0
    base = (c * _NS + s) * _NCHUNK

    datas = (d0, d1)
    eidx = (ei0, ei1)
    adjs = (a0, a1)
    rows = (r0v, r1v)
    dsems = (sd0, sd1)
    asems = (sa0, sa1)
    gsems = (sg0, sg1)
    ssems = (ss0, ss1)

    def _iota_idx(j):
        for g in range(_CHUNK // _L):
            idx_v[pl.ds(g * _L, _L)] = lax.iota(jnp.int32, _L) + (
                r0 + j * _CHUNK + g * _L)

    _fill_rows(r1v, 0.0)

    def init_body(j, carry):
        _iota_idx(j)
        pltpu.sync_copy(r1v, agg_sh.at[idx_v])
        return carry

    lax.fori_loop(0, _RPT // _CHUNK, init_body, 0, unroll=False)
    plsc.subcore_barrier()

    def _scale(ab, rb):
        for g in range(_CHUNK // _L):
            a = ab[g]
            for i in range(_L):
                e = g * _L + i
                ai = a[i]
                for f in range(_D // _L):
                    sl = pl.ds(f * _L, _L)
                    rb[e, sl] = rb[e, sl] * ai

    pltpu.async_copy(ed_hbm.at[base], d0, sd0)
    pltpu.async_copy(adj_hbm.at[base], a0, sa0)
    pltpu.async_copy(ed_hbm.at[base + 1], d1, sd1)
    pltpu.async_copy(adj_hbm.at[base + 1], a1, sa1)
    pltpu.make_async_copy(ed_hbm.at[base], d0, sd0).wait()
    pltpu.async_copy(h_hbm.at[d0.at[0]], r0v, sg0)

    def pair_body(p, carry):
        for t in range(2):
            k = 2 * p + t
            db, eb, ab, rb = datas[t], eidx[t], adjs[t], rows[t]
            sd, sa, sg, ss = dsems[t], asems[t], gsems[t], ssems[t]
            dn, en, rn = datas[1 - t], eidx[1 - t], rows[1 - t]
            sdn, sgn, ssn = dsems[1 - t], gsems[1 - t], ssems[1 - t]
            pltpu.make_async_copy(ed_hbm.at[base + k + 1], dn, sdn).wait()

            @pl.when(k > 0)
            def _drain_prev():
                pltpu.make_async_copy(rn, agg_sh.at[en], ssn).wait()

            pltpu.async_copy(h_hbm.at[dn.at[0]], rn, sgn)
            pltpu.make_async_copy(adj_hbm.at[base + k], ab, sa).wait()
            pltpu.make_async_copy(h_hbm.at[db.at[0]], rb, sg).wait()
            for g in range(_CHUNK // _L):
                eb[pl.ds(g * _L, _L)] = db[1, pl.ds(g * _L, _L)]
            pltpu.async_copy(rb, agg_sh.at[eb], ss, add=True)
            pltpu.async_copy(ed_hbm.at[base + k + 2], db, sd)
            pltpu.async_copy(adj_hbm.at[base + k + 2], ab, sa)
        return carry

    lax.fori_loop(0, _NCHUNK // 2, pair_body, 0, unroll=False)
    pltpu.make_async_copy(h_hbm.at[d0.at[0]], r0v, sg0).wait()
    pltpu.make_async_copy(ed_hbm.at[base + _NCHUNK + 1], d1, sd1).wait()
    pltpu.make_async_copy(adj_hbm.at[base + _NCHUNK], a0, sa0).wait()
    pltpu.make_async_copy(adj_hbm.at[base + _NCHUNK + 1], a1, sa1).wait()
    pltpu.make_async_copy(r1v, agg_sh.at[ei1], ss1).wait()
    plsc.subcore_barrier()

    _fill_rows(r1v, 0.0)

    def read_agg_body(j, carry):
        _iota_idx(j)
        pltpu.async_copy(agg_sh.at[idx_v], r0v, sem).wait()
        pltpu.sync_copy(r0v, agg_out.at[pl.ds(o0 + j * _CHUNK, _CHUNK)])
        pltpu.sync_copy(r1v, agg_sh.at[idx_v])
        return carry

    lax.fori_loop(0, _RPT // _CHUNK, read_agg_body, 0, unroll=False)
    plsc.subcore_barrier()

    _fill_rows(r1v, 1.0)

    pltpu.async_copy(ed_hbm.at[base], d0, sd0)
    pltpu.async_copy(ed_hbm.at[base + 1], d1, sd1)

    def deg_pair_body(p, carry):
        for t in range(2):
            k = 2 * p + t
            db, sd = datas[t], dsems[t]
            pltpu.make_async_copy(ed_hbm.at[base + k], db, sd).wait()
            off = (base + k) * _CHUNK
            nreal = jnp.maximum(jnp.minimum(_E - off, _CHUNK), 0)

            @pl.when(jnp.logical_and(nreal < _CHUNK, off < _E + _CHUNK))
            def _partial():
                def fix_body(r, carry2):
                    v = jnp.where(r < nreal, 1.0, 0.0)
                    for f in range(_D // _L):
                        r1v[r, pl.ds(f * _L, _L)] = jnp.full(
                            (_L,), v, jnp.float32)
                    return carry2

                lax.fori_loop(0, _CHUNK, fix_body, 0, unroll=False)

            pltpu.sync_copy(r1v, agg_sh.at[db.at[1]], add=True)
            pltpu.async_copy(ed_hbm.at[base + k + 2], db, sd)
        return carry

    lax.fori_loop(0, 0, deg_pair_body, 0, unroll=False)
    pltpu.make_async_copy(ed_hbm.at[base + _NCHUNK], d0, sd0).wait()
    pltpu.make_async_copy(ed_hbm.at[base + _NCHUNK + 1], d1, sd1).wait()
    plsc.subcore_barrier()

    def read_deg_body(j, carry):
        _iota_idx(j)
        pltpu.async_copy(agg_sh.at[idx_v], r0v, sem).wait()
        pltpu.sync_copy(r0v, deg_out.at[pl.ds(o0 + j * _CHUNK, _CHUNK)])
        return carry

    lax.fori_loop(0, _RPT // _CHUNK, read_deg_body, 0, unroll=False)


_sc_agg = pl.kernel(
    _sc_body,
    out_type=(
        jax.ShapeDtypeStruct((_NC * _NP, _D), jnp.float32),
        jax.ShapeDtypeStruct((_NC * _NP, _D), jnp.float32),
    ),
    mesh=plsc.VectorSubcoreMesh(core_axis_name="c", subcore_axis_name="s"),
    scratch_types=(
        pltpu.VMEM((_CHUNK,), jnp.int32),
        pltpu.VMEM((_CHUNK,), jnp.int32),
        pltpu.VMEM((_CHUNK,), jnp.int32),
        pltpu.VMEM((2, _CHUNK), jnp.int32),
        pltpu.VMEM((2, _CHUNK), jnp.int32),
        pltpu.VMEM((_CHUNK // _L, _L), jnp.float32),
        pltpu.VMEM((_CHUNK // _L, _L), jnp.float32),
        pltpu.VMEM((_CHUNK, _D), jnp.float32),
        pltpu.VMEM((_CHUNK, _D), jnp.float32),
        pltpu.VMEM_SHARED((_NP, _D), jnp.float32),
        pltpu.SemaphoreType.DMA,
        pltpu.SemaphoreType.DMA,
        pltpu.SemaphoreType.DMA,
        pltpu.SemaphoreType.DMA,
        pltpu.SemaphoreType.DMA,
        pltpu.SemaphoreType.DMA,
        pltpu.SemaphoreType.DMA,
        pltpu.SemaphoreType.DMA,
        pltpu.SemaphoreType.DMA,
    ),
)


def _combine_body(h_ref, agg_ref, deg_ref, w_ref, u_ref, b_ref, o_ref):
    agg = agg_ref[0] + agg_ref[1]
    deg = deg_ref[0, :, 0:1] + deg_ref[1, :, 0:1]
    aggn = agg / jnp.maximum(deg, 1.0)
    o_ref[...] = (
        jnp.dot(aggn, w_ref[...], preferred_element_type=jnp.float32)
        + jnp.dot(h_ref[...], u_ref[...], preferred_element_type=jnp.float32)
        + b_ref[...]
    )


def _combine(h, agg2, deg2, W, U, b):
    blk = 2000
    grid = _N // blk
    return pl.pallas_call(
        _combine_body,
        grid=(grid,),
        in_specs=[
            pl.BlockSpec((blk, _D), lambda i: (i, 0)),
            pl.BlockSpec((_NC, blk, _D), lambda i: (0, i, 0)),
            pl.BlockSpec((_NC, blk, _D), lambda i: (0, i, 0)),
            pl.BlockSpec((_D, _D), lambda i: (0, 0)),
            pl.BlockSpec((_D, _D), lambda i: (0, 0)),
            pl.BlockSpec((1, _D), lambda i: (0, 0)),
        ],
        out_specs=pl.BlockSpec((blk, _D), lambda i: (i, 0)),
        out_shape=jax.ShapeDtypeStruct((_N, _D), jnp.float32),
    )(h, agg2, deg2, W, U, b.reshape(1, _D))


def kernel(x, adjValue, edgeOne, E_start, E_end, W, U, b, bn_gamma, bn_beta):
    h = _bn_relu(x[0], bn_gamma, bn_beta)

    pad = _EPAD - _E
    es_p = jnp.pad(E_start, (0, pad)).reshape(_TOT, 1, _CHUNK)
    ee_p = jnp.pad(E_end, (0, pad)).reshape(_TOT, 1, _CHUNK)
    ed = jnp.concatenate([es_p, ee_p], axis=1)
    ed = jnp.concatenate(
        [ed, jnp.zeros((2, 2, _CHUNK), jnp.int32)], axis=0)
    adj_p = jnp.concatenate(
        [jnp.pad(adjValue, (0, pad)).reshape(_TOT, _CHUNK // _L, _L),
         jnp.zeros((2, _CHUNK // _L, _L), jnp.float32)], axis=0)

    agg_flat, deg_flat = _sc_agg(h, ed, adj_p)
    agg2 = agg_flat.reshape(_NC, _NP, _D)[:, :_N]
    deg2 = deg_flat.reshape(_NC, _NP, _D)[:, :_N]

    out = _combine(h, agg2, deg2, W, U, b)
    return out[None]

# --- scband reference (transcript-rebuilt; emitter-appended) ---
"""Pipeline reference for scband-last-block-generator-60627758350825 (READ-ONLY COPY).

The authoritative reference and input builder live on the scoring server;
editing this copy changes nothing except your own understanding.
"""

import jax, jax.numpy as jnp
import numpy as np

N_NODES = 10000
N_EDGES = 320000
D_IN = 128
D_OUT = 128
BATCH = 1


def setup_inputs(seed: int = 0) -> dict:
    key = jax.random.key(seed)
    ks = jax.random.split(key, 8)
    x = jax.random.normal(ks[0], (BATCH, N_NODES, D_IN), dtype=jnp.float32)
    adjValue = jax.random.uniform(ks[1], (N_EDGES,), dtype=jnp.float32)
    edgeOne = jnp.ones((N_EDGES,), dtype=jnp.float32)
    E_start = jax.random.randint(ks[2], (N_EDGES,), 0, N_NODES).astype(jnp.int32)
    E_end = jax.random.randint(ks[3], (N_EDGES,), 0, N_NODES).astype(jnp.int32)
    # learned parameters (ECC linear weights + BatchNorm affine)
    W = jax.random.normal(ks[4], (D_IN, D_OUT), dtype=jnp.float32) * 0.05
    U = jax.random.normal(ks[5], (D_IN, D_OUT), dtype=jnp.float32) * 0.05
    b = jnp.zeros((D_OUT,), dtype=jnp.float32)
    bn_gamma = jnp.ones((D_IN,), dtype=jnp.float32)
    bn_beta = jnp.zeros((D_IN,), dtype=jnp.float32)
    return {"x": x, "adjValue": adjValue, "edgeOne": edgeOne, "E_start": E_start,
            "E_end": E_end, "W": W, "U": U, "b": b,
            "bn_gamma": bn_gamma, "bn_beta": bn_beta}


def reference(x, adjValue, edgeOne, E_start, E_end, W, U, b, bn_gamma, bn_beta):
    N = x.shape[1]
    # BatchNorm1d over channel dim (train-mode batch stats over batch and node dims)
    mean = jnp.mean(x, axis=(0, 1), keepdims=True)
    var = jnp.var(x, axis=(0, 1), keepdims=True)
    h = (x - mean) / jnp.sqrt(var + 1e-5) * bn_gamma + bn_beta
    h = jax.nn.relu(h)
    # ECC: gather start-node features per edge, weight by adjValue,
    # scatter-add onto end nodes, degree-normalize, then linear + self-loop linear.
    def per_graph(hg):
        ve = jnp.take(hg, E_start, axis=0) * adjValue[:, None]
        agg = jax.ops.segment_sum(ve, E_end, num_segments=N)
        deg = jax.ops.segment_sum(edgeOne, E_end, num_segments=N)
        agg = agg / jnp.maximum(deg, 1.0)[:, None]
        return agg @ W + hg @ U + b
    return jax.vmap(per_graph)(h)

if __name__ == "__main__":
    import jax
    _d = setup_inputs()
    print(jax.jit(kernel)(*tuple(_d.values())))

</pallas_src>

<mosaic_0001>
#map = affine_map<(d0, d1) -> (0, 0)>
#map1 = affine_map<(d0, d1) -> (0, 0, 0)>
module attributes {stable_mosaic.version = 14 : i64} {
  func.func @_sc_body(%arg0: i32, %arg1: i32, %arg2: memref<10000x128xf32, #tpu.memory_space<hbm>>, %arg3: memref<2562x2x128xi32, #tpu.memory_space<hbm>>, %arg4: memref<2562x8x16xf32, #tpu.memory_space<hbm>>, %arg5: memref<20480x128xf32, #tpu.memory_space<hbm>>, %arg6: memref<20480x128xf32, #tpu.memory_space<hbm>>, %arg7: memref<128xi32, #tpu.memory_space<vmem>>, %arg8: memref<128xi32, #tpu.memory_space<vmem>>, %arg9: memref<128xi32, #tpu.memory_space<vmem>>, %arg10: memref<2x128xi32, #tpu.memory_space<vmem>>, %arg11: memref<2x128xi32, #tpu.memory_space<vmem>>, %arg12: memref<8x16xf32, #tpu.memory_space<vmem>>, %arg13: memref<8x16xf32, #tpu.memory_space<vmem>>, %arg14: memref<128x128xf32, #tpu.memory_space<vmem>>, %arg15: memref<128x128xf32, #tpu.memory_space<vmem>>, %arg16: memref<10240x128xf32, #tpu.memory_space<vmem_shared>>, %arg17: memref<!tpu.dma_semaphore, #tpu.memory_space<semaphore_mem>>, %arg18: memref<!tpu.dma_semaphore, #tpu.memory_space<semaphore_mem>>, %arg19: memref<!tpu.dma_semaphore, #tpu.memory_space<semaphore_mem>>, %arg20: memref<!tpu.dma_semaphore, #tpu.memory_space<semaphore_mem>>, %arg21: memref<!tpu.dma_semaphore, #tpu.memory_space<semaphore_mem>>, %arg22: memref<!tpu.dma_semaphore, #tpu.memory_space<semaphore_mem>>, %arg23: memref<!tpu.dma_semaphore, #tpu.memory_space<semaphore_mem>>, %arg24: memref<!tpu.dma_semaphore, #tpu.memory_space<semaphore_mem>>, %arg25: memref<!tpu.dma_semaphore, #tpu.memory_space<semaphore_mem>>) attributes {dimension_semantics = [#tpu.dimension_semantics<core_parallel>, #tpu.dimension_semantics<subcore_parallel>], iteration_bounds = array<i64: 2, 16>, scalar_prefetch = 0 : i64, scratch_operands = 19 : i64, tpu.core_type = #tpu.core_type<sc_vector_subcore>, window_params = [{transform_indices = #map}, {transform_indices = #map1}, {transform_indices = #map1}, {transform_indices = #map}, {transform_indices = #map}]} {
    %mul3A = arith.constant 640 : i32
    %mul3A_0 = arith.muli %arg1, %mul3A : i32
    %mul3A_1 = arith.constant 10240 : i32
    %mul3A_2 = arith.muli %arg0, %mul3A_1 : i32
    %add3A = arith.addi %mul3A_2, %mul3A_0 : i32
    %mul3A_3 = arith.constant 16 : i32
    %mul3A_4 = arith.muli %arg0, %mul3A_3 : i32
    %add3A_5 = arith.addi %mul3A_4, %arg1 : i32
    %mul3A_6 = arith.constant 80 : i32
    %mul3A_7 = arith.muli %add3A_5, %mul3A_6 : i32
    %scan3A = arith.constant 0 : i32
    %scan3A_8 = arith.constant 0 : i32
    %scan3A_9 = arith.constant 128 : i32
    %scan3A_10 = arith.addi %scan3A_8, %scan3A_9 : i32
    %scan3A_11 = arith.constant 1 : i32
    scf.for %scan3A_190 = %scan3A_8 to %scan3A_10 step %scan3A_11  : i32 {
      %broadcast_in_dim3A = arith.constant 0.000000e+00 : f32
      %broadcast_in_dim3A_191 = vector.broadcast %broadcast_in_dim3A : f32 to vector<16xf32>
      %swap3A = arith.index_cast %scan3A_190 : i32 to index
      %swap3A_192 = arith.constant 0 : index
      %swap3A_193 = tpu.vector_load %arg15[%swap3A, %swap3A_192] {strides = array<i32>} : memref<128x128xf32, #tpu.memory_space<vmem>>, vector<1x16xf32>,
      %swap3A_194 = vector.shape_cast %swap3A_193 : vector<1x16xf32> to vector<16xf32>
      %swap3A_195 = vector.shape_cast %broadcast_in_dim3A_191 : vector<16xf32> to vector<1x16xf32>
      tpu.vector_store %arg15[%swap3A, %swap3A_192], %swap3A_195 {strides = array<i32>} : memref<128x128xf32, #tpu.memory_space<vmem>>, vector<1x16xf32>,
      %broadcast_in_dim3A_196 = arith.constant 0.000000e+00 : f32
      %broadcast_in_dim3A_197 = vector.broadcast %broadcast_in_dim3A_196 : f32 to vector<16xf32>
      %swap3A_198 = arith.index_cast %scan3A_190 : i32 to index
      %swap3A_199 = arith.constant 16 : index
      %swap3A_200 = tpu.vector_load %arg15[%swap3A_198, %swap3A_199] {strides = array<i32>} : memref<128x128xf32, #tpu.memory_space<vmem>>, vector<1x16xf32>,
      %swap3A_201 = vector.shape_cast %swap3A_200 : vector<1x16xf32> to vector<16xf32>
      %swap3A_202 = vector.shape_cast %broadcast_in_dim3A_197 : vector<16xf32> to vector<1x16xf32>
      tpu.vector_store %arg15[%swap3A_198, %swap3A_199], %swap3A_202 {strides = array<i32>} : memref<128x128xf32, #tpu.memory_space<vmem>>, vector<1x16xf32>,
      %broadcast_in_dim3A_203 = arith.constant 0.000000e+00 : f32
      %broadcast_in_dim3A_204 = vector.broadcast %broadcast_in_dim3A_203 : f32 to vector<16xf32>
      %swap3A_205 = arith.index_cast %scan3A_190 : i32 to index
      %swap3A_206 = arith.constant 32 : index
      %swap3A_207 = tpu.vector_load %arg15[%swap3A_205, %swap3A_206] {strides = array<i32>} : memref<128x128xf32, #tpu.memory_space<vmem>>, vector<1x16xf32>,
      %swap3A_208 = vector.shape_cast %swap3A_207 : vector<1x16xf32> to vector<16xf32>
      %swap3A_209 = vector.shape_cast %broadcast_in_dim3A_204 : vector<16xf32> to vector<1x16xf32>
      tpu.vector_store %arg15[%swap3A_205, %swap3A_206], %swap3A_209 {strides = array<i32>} : memref<128x128xf32, #tpu.memory_space<vmem>>, vector<1x16xf32>,
      %broadcast_in_dim3A_210 = arith.constant 0.000000e+00 : f32
      %broadcast_in_dim3A_211 = vector.broadcast %broadcast_in_dim3A_210 : f32 to vector<16xf32>
      %swap3A_212 = arith.index_cast %scan3A_190 : i32 to index
      %swap3A_213 = arith.constant 48 : index
      %swap3A_214 = tpu.vector_load %arg15[%swap3A_212, %swap3A_213] {strides = array<i32>} : memref<128x128xf32, #tpu.memory_space<vmem>>, vector<1x16xf32>,
      %swap3A_215 = vector.shape_cast %swap3A_214 : vector<1x16xf32> to vector<16xf32>
      %swap3A_216 = vector.shape_cast %broadcast_in_dim3A_211 : vector<16xf32> to vector<1x16xf32>
      tpu.vector_store %arg15[%swap3A_212, %swap3A_213], %swap3A_216 {strides = array<i32>} : memref<128x128xf32, #tpu.memory_space<vmem>>, vector<1x16xf32>,
      %broadcast_in_dim3A_217 = arith.constant 0.000000e+00 : f32
      %broadcast_in_dim3A_218 = vector.broadcast %broadcast_in_dim3A_217 : f32 to vector<16xf32>
      %swap3A_219 = arith.index_cast %scan3A_190 : i32 to index
      %swap3A_220 = arith.constant 64 : index
      %swap3A_221 = tpu.vector_load %arg15[%swap3A_219, %swap3A_220] {strides = array<i32>} : memref<128x128xf32, #tpu.memory_space<vmem>>, vector<1x16xf32>,
      %swap3A_222 = vector.shape_cast %swap3A_221 : vector<1x16xf32> to vector<16xf32>
      %swap3A_223 = vector.shape_cast %broadcast_in_dim3A_218 : vector<16xf32> to vector<1x16xf32>
      tpu.vector_store %arg15[%swap3A_219, %swap3A_220], %swap3A_223 {strides = array<i32>} : memref<128x128xf32, #tpu.memory_space<vmem>>, vector<1x16xf32>,
      %broadcast_in_dim3A_224 = arith.constant 0.000000e+00 : f32
      %broadcast_in_dim3A_225 = vector.broadcast %broadcast_in_dim3A_224 : f32 to vector<16xf32>
      %swap3A_226 = arith.index_cast %scan3A_190 : i32 to index
      %swap3A_227 = arith.constant 80 : index
      %swap3A_228 = tpu.vector_load %arg15[%swap3A_226, %swap3A_227] {strides = array<i32>} : memref<128x128xf32, #tpu.memory_space<vmem>>, vector<1x16xf32>,
      %swap3A_229 = vector.shape_cast %swap3A_228 : vector<1x16xf32> to vector<16xf32>
      %swap3A_230 = vector.shape_cast %broadcast_in_dim3A_225 : vector<16xf32> to vector<1x16xf32>
      tpu.vector_store %arg15[%swap3A_226, %swap3A_227], %swap3A_230 {strides = array<i32>} : memref<128x128xf32, #tpu.memory_space<vmem>>, vector<1x16xf32>,
      %broadcast_in_dim3A_231 = arith.constant 0.000000e+00 : f32
      %broadcast_in_dim3A_232 = vector.broadcast %broadcast_in_dim3A_231 : f32 to vector<16xf32>
      %swap3A_233 = arith.index_cast %scan3A_190 : i32 to index
      %swap3A_234 = arith.constant 96 : index
      %swap3A_235 = tpu.vector_load %arg15[%swap3A_233, %swap3A_234] {strides = array<i32>} : memref<128x128xf32, #tpu.memory_space<vmem>>, vector<1x16xf32>,
      %swap3A_236 = vector.shape_cast %swap3A_235 : vector<1x16xf32> to vector<16xf32>
      %swap3A_237 = vector.shape_cast %broadcast_in_dim3A_232 : vector<16xf32> to vector<1x16xf32>
      tpu.vector_store %arg15[%swap3A_233, %swap3A_234], %swap3A_237 {strides = array<i32>} : memref<128x128xf32, #tpu.memory_space<vmem>>, vector<1x16xf32>,
      %broadcast_in_dim3A_238 = arith.constant 0.000000e+00 : f32
      %broadcast_in_dim3A_239 = vector.broadcast %broadcast_in_dim3A_238 : f32 to vector<16xf32>
      %swap3A_240 = arith.index_cast %scan3A_190 : i32 to index
      %swap3A_241 = arith.constant 112 : index
      %swap3A_242 = tpu.vector_load %arg15[%swap3A_240, %swap3A_241] {strides = array<i32>} : memref<128x128xf32, #tpu.memory_space<vmem>>, vector<1x16xf32>,
      %swap3A_243 = vector.shape_cast %swap3A_242 : vector<1x16xf32> to vector<16xf32>
      %swap3A_244 = vector.shape_cast %broadcast_in_dim3A_239 : vector<16xf32> to vector<1x16xf32>
      tpu.vector_store %arg15[%swap3A_240, %swap3A_241], %swap3A_244 {strides = array<i32>} : memref<128x128xf32, #tpu.memory_space<vmem>>, vector<1x16xf32>,
    }
    %scan3A_12 = arith.constant 128 : i32
    %scan3A_13 = arith.constant 0 : i32
    %scan3A_14 = arith.constant 0 : i32
    %scan3A_15 = arith.constant 5 : i32
    %scan3A_16 = arith.addi %scan3A_14, %scan3A_15 : i32
    %scan3A_17 = arith.constant 1 : i32
    scf.for %scan3A_190 = %scan3A_14 to %scan3A_16 step %scan3A_17  : i32 {
      %iota3A = tpu.iota {dimensions = array<i32: 0>} : vector<16xi32>
      %mul3A_191 = arith.constant 128 : i32
      %mul3A_192 = arith.muli %scan3A_190, %mul3A_191 : i32
      %add3A_193 = arith.addi %mul3A_0, %mul3A_192 : i32
      %add3A_194 = arith.constant 0 : i32
      %add3A_195 = arith.addi %add3A_193, %add3A_194 : i32
      %add3A_196 = vector.broadcast %add3A_195 : i32 to vector<16xi32>
      %add3A_197 = arith.addi %iota3A, %add3A_196 : vector<16xi32>
      %swap3A = arith.constant 0 : index
      %swap3A_198 = tpu.vector_load %arg7[%swap3A] {strides = array<i32>} : memref<128xi32, #tpu.memory_space<vmem>>, vector<16xi32>,
      %swap3A_199 = vector.shape_cast %swap3A_198 : vector<16xi32> to vector<16xi32>
      %swap3A_200 = vector.shape_cast %add3A_197 : vector<16xi32> to vector<16xi32>
      tpu.vector_store %arg7[%swap3A], %swap3A_200 {strides = array<i32>} : memref<128xi32, #tpu.memory_space<vmem>>, vector<16xi32>,
      %iota3A_201 = tpu.iota {dimensions = array<i32: 0>} : vector<16xi32>
      %mul3A_202 = arith.constant 128 : i32
      %mul3A_203 = arith.muli %scan3A_190, %mul3A_202 : i32
      %add3A_204 = arith.addi %mul3A_0, %mul3A_203 : i32
      %add3A_205 = arith.constant 16 : i32
      %add3A_206 = arith.addi %add3A_204, %add3A_205 : i32
      %add3A_207 = vector.broadcast %add3A_206 : i32 to vector<16xi32>
      %add3A_208 = arith.addi %iota3A_201, %add3A_207 : vector<16xi32>
      %swap3A_209 = arith.constant 16 : index
      %swap3A_210 = tpu.vector_load %arg7[%swap3A_209] {strides = array<i32>} : memref<128xi32, #tpu.memory_space<vmem>>, vector<16xi32>,
      %swap3A_211 = vector.shape_cast %swap3A_210 : vector<16xi32> to vector<16xi32>
      %swap3A_212 = vector.shape_cast %add3A_208 : vector<16xi32> to vector<16xi32>
      tpu.vector_store %arg7[%swap3A_209], %swap3A_212 {strides = array<i32>} : memref<128xi32, #tpu.memory_space<vmem>>, vector<16xi32>,
      %iota3A_213 = tpu.iota {dimensions = array<i32: 0>} : vector<16xi32>
      %mul3A_214 = arith.constant 128 : i32
      %mul3A_215 = arith.muli %scan3A_190, %mul3A_214 : i32
      %add3A_216 = arith.addi %mul3A_0, %mul3A_215 : i32
      %add3A_217 = arith.constant 32 : i32
      %add3A_218 = arith.addi %add3A_216, %add3A_217 : i32
      %add3A_219 = vector.broadcast %add3A_218 : i32 to vector<16xi32>
      %add3A_220 = arith.addi %iota3A_213, %add3A_219 : vector<16xi32>
      %swap3A_221 = arith.constant 32 : index
      %swap3A_222 = tpu.vector_load %arg7[%swap3A_221] {strides = array<i32>} : memref<128xi32, #tpu.memory_space<vmem>>, vector<16xi32>,
      %swap3A_223 = vector.shape_cast %swap3A_222 : vector<16xi32> to vector<16xi32>
      %swap3A_224 = vector.shape_cast %add3A_220 : vector<16xi32> to vector<16xi32>
      tpu.vector_store %arg7[%swap3A_221], %swap3A_224 {strides = array<i32>} : memref<128xi32, #tpu.memory_space<vmem>>, vector<16xi32>,
      %iota3A_225 = tpu.iota {dimensions = array<i32: 0>} : vector<16xi32>
      %mul3A_226 = arith.constant 128 : i32
      %mul3A_227 = arith.muli %scan3A_190, %mul3A_226 : i32
      %add3A_228 = arith.addi %mul3A_0, %mul3A_227 : i32
      %add3A_229 = arith.constant 48 : i32
      %add3A_230 = arith.addi %add3A_228, %add3A_229 : i32
      %add3A_231 = vector.broadcast %add3A_230 : i32 to vector<16xi32>
      %add3A_232 = arith.addi %iota3A_225, %add3A_231 : vector<16xi32>
      %swap3A_233 = arith.constant 48 : index
      %swap3A_234 = tpu.vector_load %arg7[%swap3A_233] {strides = array<i32>} : memref<128xi32, #tpu.memory_space<vmem>>, vector<16xi32>,
      %swap3A_235 = vector.shape_cast %swap3A_234 : vector<16xi32> to vector<16xi32>
      %swap3A_236 = vector.shape_cast %add3A_232 : vector<16xi32> to vector<16xi32>
      tpu.vector_store %arg7[%swap3A_233], %swap3A_236 {strides = array<i32>} : memref<128xi32, #tpu.memory_space<vmem>>, vector<16xi32>,
      %iota3A_237 = tpu.iota {dimensions = array<i32: 0>} : vector<16xi32>
      %mul3A_238 = arith.constant 128 : i32
      %mul3A_239 = arith.muli %scan3A_190, %mul3A_238 : i32
      %add3A_240 = arith.addi %mul3A_0, %mul3A_239 : i32
      %add3A_241 = arith.constant 64 : i32
      %add3A_242 = arith.addi %add3A_240, %add3A_241 : i32
      %add3A_243 = vector.broadcast %add3A_242 : i32 to vector<16xi32>
      %add3A_244 = arith.addi %iota3A_237, %add3A_243 : vector<16xi32>
      %swap3A_245 = arith.constant 64 : index
      %swap3A_246 = tpu.vector_load %arg7[%swap3A_245] {strides = array<i32>} : memref<128xi32, #tpu.memory_space<vmem>>, vector<16xi32>,
      %swap3A_247 = vector.shape_cast %swap3A_246 : vector<16xi32> to vector<16xi32>
      %swap3A_248 = vector.shape_cast %add3A_244 : vector<16xi32> to vector<16xi32>
      tpu.vector_store %arg7[%swap3A_245], %swap3A_248 {strides = array<i32>} : memref<128xi32, #tpu.memory_space<vmem>>, vector<16xi32>,
      %iota3A_249 = tpu.iota {dimensions = array<i32: 0>} : vector<16xi32>
      %mul3A_250 = arith.constant 128 : i32
      %mul3A_251 = arith.muli %scan3A_190, %mul3A_250 : i32
      %add3A_252 = arith.addi %mul3A_0, %mul3A_251 : i32
      %add3A_253 = arith.constant 80 : i32
      %add3A_254 = arith.addi %add3A_252, %add3A_253 : i32
      %add3A_255 = vector.broadcast %add3A_254 : i32 to vector<16xi32>
      %add3A_256 = arith.addi %iota3A_249, %add3A_255 : vector<16xi32>
      %swap3A_257 = arith.constant 80 : index
      %swap3A_258 = tpu.vector_load %arg7[%swap3A_257] {strides = array<i32>} : memref<128xi32, #tpu.memory_space<vmem>>, vector<16xi32>,
      %swap3A_259 = vector.shape_cast %swap3A_258 : vector<16xi32> to vector<16xi32>
      %swap3A_260 = vector.shape_cast %add3A_256 : vector<16xi32> to vector<16xi32>
      tpu.vector_store %arg7[%swap3A_257], %swap3A_260 {strides = array<i32>} : memref<128xi32, #tpu.memory_space<vmem>>, vector<16xi32>,
      %iota3A_261 = tpu.iota {dimensions = array<i32: 0>} : vector<16xi32>
      %mul3A_262 = arith.constant 128 : i32
      %mul3A_263 = arith.muli %scan3A_190, %mul3A_262 : i32
      %add3A_264 = arith.addi %mul3A_0, %mul3A_263 : i32
      %add3A_265 = arith.constant 96 : i32
      %add3A_266 = arith.addi %add3A_264, %add3A_265 : i32
      %add3A_267 = vector.broadcast %add3A_266 : i32 to vector<16xi32>
      %add3A_268 = arith.addi %iota3A_261, %add3A_267 : vector<16xi32>
      %swap3A_269 = arith.constant 96 : index
      %swap3A_270 = tpu.vector_load %arg7[%swap3A_269] {strides = array<i32>} : memref<128xi32, #tpu.memory_space<vmem>>, vector<16xi32>,
      %swap3A_271 = vector.shape_cast %swap3A_270 : vector<16xi32> to vector<16xi32>
      %swap3A_272 = vector.shape_cast %add3A_268 : vector<16xi32> to vector<16xi32>
      tpu.vector_store %arg7[%swap3A_269], %swap3A_272 {strides = array<i32>} : memref<128xi32, #tpu.memory_space<vmem>>, vector<16xi32>,
      %iota3A_273 = tpu.iota {dimensions = array<i32: 0>} : vector<16xi32>
      %mul3A_274 = arith.constant 128 : i32
      %mul3A_275 = arith.muli %scan3A_190, %mul3A_274 : i32
      %add3A_276 = arith.addi %mul3A_0, %mul3A_275 : i32
      %add3A_277 = arith.constant 112 : i32
      %add3A_278 = arith.addi %add3A_276, %add3A_277 : i32
      %add3A_279 = vector.broadcast %add3A_278 : i32 to vector<16xi32>
      %add3A_280 = arith.addi %iota3A_273, %add3A_279 : vector<16xi32>
      %swap3A_281 = arith.constant 112 : index
      %swap3A_282 = tpu.vector_load %arg7[%swap3A_281] {strides = array<i32>} : memref<128xi32, #tpu.memory_space<vmem>>, vector<16xi32>,
      %swap3A_283 = vector.shape_cast %swap3A_282 : vector<16xi32> to vector<16xi32>
      %swap3A_284 = vector.shape_cast %add3A_280 : vector<16xi32> to vector<16xi32>
      tpu.vector_store %arg7[%swap3A_281], %swap3A_284 {strides = array<i32>} : memref<128xi32, #tpu.memory_space<vmem>>, vector<16xi32>,
      "tpu.region"() ({
        %run_scoped3A = tpu.sem_alloc : memref<!tpu.dma_semaphore, #tpu.memory_space<semaphore_mem>>
        %dma_start3A_285 = arith.constant 0 : i32
        %dma_start3A_286 = arith.constant 0 : i32
        %dma_start3A_287 = tpu.memref_slice %arg16[%dma_start3A_285, %dma_start3A_286] : memref<10240x128xf32, #tpu.memory_space<vmem_shared>> -> memref<10240x128xf32, #tpu.memory_space<vmem_shared>>
        tpu.enqueue_indirect_dma source(%arg15 : memref<128x128xf32, #tpu.memory_space<vmem>>) target(%dma_start3A_287 : memref<10240x128xf32, #tpu.memory_space<vmem_shared>>) offsets(%arg7 : memref<128xi32, #tpu.memory_space<vmem>>) semaphore(%run_scoped3A : memref<!tpu.dma_semaphore, #tpu.memory_space<semaphore_mem>>)
        %dma_wait3A_288 = arith.constant 0 : i32
        %dma_wait3A_289 = arith.constant 0 : i32
        %dma_wait3A_290 = tpu.memref_slice %arg16[%dma_wait3A_288, %dma_wait3A_289] : memref<10240x128xf32, #tpu.memory_space<vmem_shared>> -> memref<10240x128xf32, #tpu.memory_space<vmem_shared>>
        tpu.wait_indirect_dma semaphore(%run_scoped3A : memref<!tpu.dma_semaphore, #tpu.memory_space<semaphore_mem>>) src(%arg15 : memref<128x128xf32, #tpu.memory_space<vmem>>) dst(%dma_wait3A_290 : memref<10240x128xf32, #tpu.memory_space<vmem_shared>>)
        tpu.yield
      }) : () -> ()
    }
    %scan3A_18 = arith.constant 5 : i32
    %barrier3A = arith.constant 0 : index
    tpu.barrier barrier_id(%barrier3A)
    %dma_start3A = arith.constant 0 : i32
    %dma_start3A_19 = arith.constant 0 : i32
    %dma_start3A_20 = tpu.memref_slice %arg3[%mul3A_7, %dma_start3A, %dma_start3A_19] : memref<2562x2x128xi32, #tpu.memory_space<hbm>> -> memref<1x2x128xi32, #tpu.memory_space<hbm>>
    %dma_start3A_21 = tpu.memref_squeeze %dma_start3A_20 : memref<1x2x128xi32, #tpu.memory_space<hbm>> -> memref<2x128xi32, #tpu.memory_space<hbm>>
    %dma_start3A_22 = arith.constant 0 : i32
    %dma_start3A_23 = arith.constant 0 : i32
    %dma_start3A_24 = tpu.memref_slice %arg3[%mul3A_7, %dma_start3A_22, %dma_start3A_23] : memref<2562x2x128xi32, #tpu.memory_space<hbm>> -> memref<1x2x128xi32, #tpu.memory_space<hbm>>
    %dma_start3A_25 = tpu.memref_squeeze %dma_start3A_24 : memref<1x2x128xi32, #tpu.memory_space<hbm>> -> memref<2x128xi32, #tpu.memory_space<hbm>>
    tpu.enqueue_dma source(%dma_start3A_25 : memref<2x128xi32, #tpu.memory_space<hbm>>) target(%arg10 : memref<2x128xi32, #tpu.memory_space<vmem>>) target_semaphore(%arg17 : memref<!tpu.dma_semaphore, #tpu.memory_space<semaphore_mem>>)
    %dma_start3A_26 = arith.constant 0 : i32
    %dma_start3A_27 = arith.constant 0 : i32
    %dma_start3A_28 = tpu.memref_slice %arg4[%mul3A_7, %dma_start3A_26, %dma_start3A_27] : memref<2562x8x16xf32, #tpu.memory_space<hbm>> -> memref<1x8x16xf32, #tpu.memory_space<hbm>>
    %dma_start3A_29 = tpu.memref_squeeze %dma_start3A_28 : memref<1x8x16xf32, #tpu.memory_space<hbm>> -> memref<8x16xf32, #tpu.memory_space<hbm>>
    %dma_start3A_30 = arith.constant 0 : i32
    %dma_start3A_31 = arith.constant 0 : i32
    %dma_start3A_32 = tpu.memref_slice %arg4[%mul3A_7, %dma_start3A_30, %dma_start3A_31] : memref<2562x8x16xf32, #tpu.memory_space<hbm>> -> memref<1x8x16xf32, #tpu.memory_space<hbm>>
    %dma_start3A_33 = tpu.memref_squeeze %dma_start3A_32 : memref<1x8x16xf32, #tpu.memory_space<hbm>> -> memref<8x16xf32, #tpu.memory_space<hbm>>
    tpu.enqueue_dma source(%dma_start3A_33 : memref<8x16xf32, #tpu.memory_space<hbm>>) target(%arg12 : memref<8x16xf32, #tpu.memory_space<vmem>>) target_semaphore(%arg19 : memref<!tpu.dma_semaphore, #tpu.memory_space<semaphore_mem>>)
    %add3A_34 = arith.constant 1 : i32
    %add3A_35 = arith.addi %mul3A_7, %add3A_34 : i32
    %dma_start3A_36 = arith.constant 0 : i32
    %dma_start3A_37 = arith.constant 0 : i32
    %dma_start3A_38 = tpu.memref_slice %arg3[%add3A_35, %dma_start3A_36, %dma_start3A_37] : memref<2562x2x128xi32, #tpu.memory_space<hbm>> -> memref<1x2x128xi32, #tpu.memory_space<hbm>>
    %dma_start3A_39 = tpu.memref_squeeze %dma_start3A_38 : memref<1x2x128xi32, #tpu.memory_space<hbm>> -> memref<2x128xi32, #tpu.memory_space<hbm>>
    %dma_start3A_40 = arith.constant 0 : i32
    %dma_start3A_41 = arith.constant 0 : i32
    %dma_start3A_42 = tpu.memref_slice %arg3[%add3A_35, %dma_start3A_40, %dma_start3A_41] : memref<2562x2x128xi32, #tpu.memory_space<hbm>> -> memref<1x2x128xi32, #tpu.memory_space<hbm>>
    %dma_start3A_43 = tpu.memref_squeeze %dma_start3A_42 : memref<1x2x128xi32, #tpu.memory_space<hbm>> -> memref<2x128xi32, #tpu.memory_space<hbm>>
    tpu.enqueue_dma source(%dma_start3A_43 : memref<2x128xi32, #tpu.memory_space<hbm>>) target(%arg11 : memref<2x128xi32, #tpu.memory_space<vmem>>) target_semaphore(%arg18 : memref<!tpu.dma_semaphore, #tpu.memory_space<semaphore_mem>>)
    %add3A_44 = arith.constant 1 : i32
    %add3A_45 = arith.addi %mul3A_7, %add3A_44 : i32
    %dma_start3A_46 = arith.constant 0 : i32
    %dma_start3A_47 = arith.constant 0 : i32
    %dma_start3A_48 = tpu.memref_slice %arg4[%add3A_45, %dma_start3A_46, %dma_start3A_47] : memref<2562x8x16xf32, #tpu.memory_space<hbm>> -> memref<1x8x16xf32, #tpu.memory_space<hbm>>
    %dma_start3A_49 = tpu.memref_squeeze %dma_start3A_48 : memref<1x8x16xf32, #tpu.memory_space<hbm>> -> memref<8x16xf32, #tpu.memory_space<hbm>>
    %dma_start3A_50 = arith.constant 0 : i32
    %dma_start3A_51 = arith.constant 0 : i32
    %dma_start3A_52 = tpu.memref_slice %arg4[%add3A_45, %dma_start3A_50, %dma_start3A_51] : memref<2562x8x16xf32, #tpu.memory_space<hbm>> -> memref<1x8x16xf32, #tpu.memory_space<hbm>>
    %dma_start3A_53 = tpu.memref_squeeze %dma_start3A_52 : memref<1x8x16xf32, #tpu.memory_space<hbm>> -> memref<8x16xf32, #tpu.memory_space<hbm>>
    tpu.enqueue_dma source(%dma_start3A_53 : memref<8x16xf32, #tpu.memory_space<hbm>>) target(%arg13 : memref<8x16xf32, #tpu.memory_space<vmem>>) target_semaphore(%arg20 : memref<!tpu.dma_semaphore, #tpu.memory_space<semaphore_mem>>)
    %dma_wait3A = arith.constant 0 : i32
    %dma_wait3A_54 = arith.constant 0 : i32
    %dma_wait3A_55 = tpu.memref_slice %arg3[%mul3A_7, %dma_wait3A, %dma_wait3A_54] : memref<2562x2x128xi32, #tpu.memory_space<hbm>> -> memref<1x2x128xi32, #tpu.memory_space<hbm>>
    %dma_wait3A_56 = tpu.memref_squeeze %dma_wait3A_55 : memref<1x2x128xi32, #tpu.memory_space<hbm>> -> memref<2x128xi32, #tpu.memory_space<hbm>>
    %dma_wait3A_57 = arith.constant 0 : i32
    %dma_wait3A_58 = arith.constant 0 : i32
    %dma_wait3A_59 = tpu.memref_slice %arg3[%mul3A_7, %dma_wait3A_57, %dma_wait3A_58] : memref<2562x2x128xi32, #tpu.memory_space<hbm>> -> memref<1x2x128xi32, #tpu.memory_space<hbm>>
    %dma_wait3A_60 = tpu.memref_squeeze %dma_wait3A_59 : memref<1x2x128xi32, #tpu.memory_space<hbm>> -> memref<2x128xi32, #tpu.memory_space<hbm>>
    tpu.wait_dma2 semaphore(%arg17 : memref<!tpu.dma_semaphore, #tpu.memory_space<semaphore_mem>>) src(%dma_wait3A_60 : memref<2x128xi32, #tpu.memory_space<hbm>>) dst(%arg10 : memref<2x128xi32, #tpu.memory_space<vmem>>)
    %dma_start3A_61 = arith.constant 0 : i32
    %dma_start3A_62 = arith.constant 0 : i32
    %dma_start3A_63 = tpu.memref_slice %arg10[%dma_start3A_61, %dma_start3A_62] : memref<2x128xi32, #tpu.memory_space<vmem>> -> memref<1x128xi32, #tpu.memory_space<vmem>>
    %dma_start3A_64 = tpu.memref_squeeze %dma_start3A_63 : memref<1x128xi32, #tpu.memory_space<vmem>> -> memref<128xi32, #tpu.memory_space<vmem>>
    %dma_start3A_65 = arith.constant 0 : i32
    %dma_start3A_66 = arith.constant 0 : i32
    %dma_start3A_67 = tpu.memref_slice %arg2[%dma_start3A_65, %dma_start3A_66] : memref<10000x128xf32, #tpu.memory_space<hbm>> -> memref<10000x128xf32, #tpu.memory_space<hbm>>
    tpu.enqueue_indirect_dma source(%dma_start3A_67 : memref<10000x128xf32, #tpu.memory_space<hbm>>) target(%arg14 : memref<128x128xf32, #tpu.memory_space<vmem>>) offsets(%dma_start3A_64 : memref<128xi32, #tpu.memory_space<vmem>>) semaphore(%arg21 : memref<!tpu.dma_semaphore, #tpu.memory_space<semaphore_mem>>)
    %scan3A_68 = arith.constant 0 : i32
    %scan3A_69 = arith.constant 0 : i32
    %scan3A_70 = arith.constant 40 : i32
    %scan3A_71 = arith.addi %scan3A_69, %scan3A_70 : i32
    %scan3A_72 = arith.constant 1 : i32
    scf.for %scan3A_190 = %scan3A_69 to %scan3A_71 step %scan3A_72  : i32 {
      %mul3A_191 = arith.constant 2 : i32
      %mul3A_192 = arith.muli %mul3A_191, %scan3A_190 : i32
      %add3A_193 = arith.constant 0 : i32
      %add3A_194 = arith.addi %mul3A_192, %add3A_193 : i32
      %add3A_195 = arith.addi %mul3A_7, %add3A_194 : i32
      %add3A_196 = arith.constant 1 : i32
      %add3A_197 = arith.addi %add3A_195, %add3A_196 : i32
      %dma_wait3A_198 = arith.constant 0 : i32
      %dma_wait3A_199 = arith.constant 0 : i32
      %dma_wait3A_200 = tpu.memref_slice %arg3[%add3A_197, %dma_wait3A_198, %dma_wait3A_199] : memref<2562x2x128xi32, #tpu.memory_space<hbm>> -> memref<1x2x128xi32, #tpu.memory_space<hbm>>
      %dma_wait3A_201 = tpu.memref_squeeze %dma_wait3A_200 : memref<1x2x128xi32, #tpu.memory_space<hbm>> -> memref<2x128xi32, #tpu.memory_space<hbm>>
      %dma_wait3A_202 = arith.constant 0 : i32
      %dma_wait3A_203 = arith.constant 0 : i32
      %dma_wait3A_204 = tpu.memref_slice %arg3[%add3A_197, %dma_wait3A_202, %dma_wait3A_203] : memref<2562x2x128xi32, #tpu.memory_space<hbm>> -> memref<1x2x128xi32, #tpu.memory_space<hbm>>
      %dma_wait3A_205 = tpu.memref_squeeze %dma_wait3A_204 : memref<1x2x128xi32, #tpu.memory_space<hbm>> -> memref<2x128xi32, #tpu.memory_space<hbm>>
      tpu.wait_dma2 semaphore(%arg18 : memref<!tpu.dma_semaphore, #tpu.memory_space<semaphore_mem>>) src(%dma_wait3A_205 : memref<2x128xi32, #tpu.memory_space<hbm>>) dst(%arg11 : memref<2x128xi32, #tpu.memory_space<vmem>>)
      %gt3A = arith.constant 0 : i32
      %gt3A_206 = arith.cmpi sgt, %add3A_194, %gt3A : i32
      %convert_element_type3A = arith.extui %gt3A_206 : i1 to i32
      %cond3A = arith.constant 0 : i32
      %cond3A_207 = arith.cmpi ne, %convert_element_type3A, %cond3A : i32
      scf.if %cond3A_207 {
        %dma_wait3A_466 = arith.constant 0 : i32
        %dma_wait3A_467 = arith.constant 0 : i32
        %dma_wait3A_468 = tpu.memref_slice %arg16[%dma_wait3A_466, %dma_wait3A_467] : memref<10240x128xf32, #tpu.memory_space<vmem_shared>> -> memref<10240x128xf32, #tpu.memory_space<vmem_shared>>
        tpu.wait_indirect_dma semaphore(%arg24 : memref<!tpu.dma_semaphore, #tpu.memory_space<semaphore_mem>>) src(%arg15 : memref<128x128xf32, #tpu.memory_space<vmem>>) dst(%dma_wait3A_468 : memref<10240x128xf32, #tpu.memory_space<vmem_shared>>)
      } else {
      }
      %dma_start3A_208 = arith.constant 0 : i32
      %dma_start3A_209 = arith.constant 0 : i32
      %dma_start3A_210 = tpu.memref_slice %arg11[%dma_start3A_208, %dma_start3A_209] : memref<2x128xi32, #tpu.memory_space<vmem>> -> memref<1x128xi32, #tpu.memory_space<vmem>>
      %dma_start3A_211 = tpu.memref_squeeze %dma_start3A_210 : memref<1x128xi32, #tpu.memory_space<vmem>> -> memref<128xi32, #tpu.memory_space<vmem>>
      %dma_start3A_212 = arith.constant 0 : i32
      %dma_start3A_213 = arith.constant 0 : i32
      %dma_start3A_214 = tpu.memref_slice %arg2[%dma_start3A_212, %dma_start3A_213] : memref<10000x128xf32, #tpu.memory_space<hbm>> -> memref<10000x128xf32, #tpu.memory_space<hbm>>
      tpu.enqueue_indirect_dma source(%dma_start3A_214 : memref<10000x128xf32, #tpu.memory_space<hbm>>) target(%arg15 : memref<128x128xf32, #tpu.memory_space<vmem>>) offsets(%dma_start3A_211 : memref<128xi32, #tpu.memory_space<vmem>>) semaphore(%arg22 : memref<!tpu.dma_semaphore, #tpu.memory_space<semaphore_mem>>)
      %add3A_215 = arith.addi %mul3A_7, %add3A_194 : i32
      %dma_wait3A_216 = arith.constant 0 : i32
      %dma_wait3A_217 = arith.constant 0 : i32
      %dma_wait3A_218 = tpu.memref_slice %arg4[%add3A_215, %dma_wait3A_216, %dma_wait3A_217] : memref<2562x8x16xf32, #tpu.memory_space<hbm>> -> memref<1x8x16xf32, #tpu.memory_space<hbm>>
      %dma_wait3A_219 = tpu.memref_squeeze %dma_wait3A_218 : memref<1x8x16xf32, #tpu.memory_space<hbm>> -> memref<8x16xf32, #tpu.memory_space<hbm>>
      %dma_wait3A_220 = arith.constant 0 : i32
      %dma_wait3A_221 = arith.constant 0 : i32
      %dma_wait3A_222 = tpu.memref_slice %arg4[%add3A_215, %dma_wait3A_220, %dma_wait3A_221] : memref<2562x8x16xf32, #tpu.memory_space<hbm>> -> memref<1x8x16xf32, #tpu.memory_space<hbm>>
      %dma_wait3A_223 = tpu.memref_squeeze %dma_wait3A_222 : memref<1x8x16xf32, #tpu.memory_space<hbm>> -> memref<8x16xf32, #tpu.memory_space<hbm>>
      tpu.wait_dma2 semaphore(%arg19 : memref<!tpu.dma_semaphore, #tpu.memory_space<semaphore_mem>>) src(%dma_wait3A_223 : memref<8x16xf32, #tpu.memory_space<hbm>>) dst(%arg12 : memref<8x16xf32, #tpu.memory_space<vmem>>)
      %dma_wait3A_224 = arith.constant 0 : i32
      %dma_wait3A_225 = arith.constant 0 : i32
      %dma_wait3A_226 = tpu.memref_slice %arg10[%dma_wait3A_224, %dma_wait3A_225] : memref<2x128xi32, #tpu.memory_space<vmem>> -> memref<1x128xi32, #tpu.memory_space<vmem>>
      %dma_wait3A_227 = tpu.memref_squeeze %dma_wait3A_226 : memref<1x128xi32, #tpu.memory_space<vmem>> -> memref<128xi32, #tpu.memory_space<vmem>>
      %dma_wait3A_228 = arith.constant 0 : i32
      %dma_wait3A_229 = arith.constant 0 : i32
      %dma_wait3A_230 = tpu.memref_slice %arg2[%dma_wait3A_228, %dma_wait3A_229] : memref<10000x128xf32, #tpu.memory_space<hbm>> -> memref<10000x128xf32, #tpu.memory_space<hbm>>
      tpu.wait_indirect_dma semaphore(%arg21 : memref<!tpu.dma_semaphore, #tpu.memory_space<semaphore_mem>>) src(%dma_wait3A_230 : memref<10000x128xf32, #tpu.memory_space<hbm>>) dst(%arg14 : memref<128x128xf32, #tpu.memory_space<vmem>>)
      %get3A = arith.constant 1 : i32
      %get3A_231 = arith.index_cast %get3A : i32 to index
      %get3A_232 = arith.constant 0 : index
      %get3A_233 = tpu.vector_load %arg10[%get3A_231, %get3A_232] {strides = array<i32>} : memref<2x128xi32, #tpu.memory_space<vmem>>, vector<1x16xi32>,
      %get3A_234 = vector.shape_cast %get3A_233 : vector<1x16xi32> to vector<16xi32>
      %swap3A = arith.constant 0 : index
      %swap3A_235 = tpu.vector_load %arg8[%swap3A] {strides = array<i32>} : memref<128xi32, #tpu.memory_space<vmem>>, vector<16xi32>,
      %swap3A_236 = vector.shape_cast %swap3A_235 : vector<16xi32> to vector<16xi32>
      %swap3A_237 = vector.shape_cast %get3A_234 : vector<16xi32> to vector<16xi32>
      tpu.vector_store %arg8[%swap3A], %swap3A_237 {strides = array<i32>} : memref<128xi32, #tpu.memory_space<vmem>>, vector<16xi32>,
      %get3A_238 = arith.constant 1 : i32
      %get3A_239 = arith.index_cast %get3A_238 : i32 to index
      %get3A_240 = arith.constant 16 : index
      %get3A_241 = tpu.vector_load %arg10[%get3A_239, %get3A_240] {strides = array<i32>} : memref<2x128xi32, #tpu.memory_space<vmem>>, vector<1x16xi32>,
      %get3A_242 = vector.shape_cast %get3A_241 : vector<1x16xi32> to vector<16xi32>
      %swap3A_243 = arith.constant 16 : index
      %swap3A_244 = tpu.vector_load %arg8[%swap3A_243] {strides = array<i32>} : memref<128xi32, #tpu.memory_space<vmem>>, vector<16xi32>,
      %swap3A_245 = vector.shape_cast %swap3A_244 : vector<16xi32> to vector<16xi32>
      %swap3A_246 = vector.shape_cast %get3A_242 : vector<16xi32> to vector<16xi32>
      tpu.vector_store %arg8[%swap3A_243], %swap3A_246 {strides = array<i32>} : memref<128xi32, #tpu.memory_space<vmem>>, vector<16xi32>,
      %get3A_247 = arith.constant 1 : i32
      %get3A_248 = arith.index_cast %get3A_247 : i32 to index
      %get3A_249 = arith.constant 32 : index
      %get3A_250 = tpu.vector_load %arg10[%get3A_248, %get3A_249] {strides = array<i32>} : memref<2x128xi32, #tpu.memory_space<vmem>>, vector<1x16xi32>,
      %get3A_251 = vector.shape_cast %get3A_250 : vector<1x16xi32> to vector<16xi32>
      %swap3A_252 = arith.constant 32 : index
      %swap3A_253 = tpu.vector_load %arg8[%swap3A_252] {strides = array<i32>} : memref<128xi32, #tpu.memory_space<vmem>>, vector<16xi32>,
      %swap3A_254 = vector.shape_cast %swap3A_253 : vector<16xi32> to vector<16xi32>
      %swap3A_255 = vector.shape_cast %get3A_251 : vector<16xi32> to vector<16xi32>
      tpu.vector_store %arg8[%swap3A_252], %swap3A_255 {strides = array<i32>} : memref<128xi32, #tpu.memory_space<vmem>>, vector<16xi32>,
      %get3A_256 = arith.constant 1 : i32
      %get3A_257 = arith.index_cast %get3A_256 : i32 to index
      %get3A_258 = arith.constant 48 : index
      %get3A_259 = tpu.vector_load %arg10[%get3A_257, %get3A_258] {strides = array<i32>} : memref<2x128xi32, #tpu.memory_space<vmem>>, vector<1x16xi32>,
      %get3A_260 = vector.shape_cast %get3A_259 : vector<1x16xi32> to vector<16xi32>
      %swap3A_261 = arith.constant 48 : index
      %swap3A_262 = tpu.vector_load %arg8[%swap3A_261] {strides = array<i32>} : memref<128xi32, #tpu.memory_space<vmem>>, vector<16xi32>,
      %swap3A_263 = vector.shape_cast %swap3A_262 : vector<16xi32> to vector<16xi32>
      %swap3A_264 = vector.shape_cast %get3A_260 : vector<16xi32> to vector<16xi32>
      tpu.vector_store %arg8[%swap3A_261], %swap3A_264 {strides = array<i32>} : memref<128xi32, #tpu.memory_space<vmem>>, vector<16xi32>,
      %get3A_265 = arith.constant 1 : i32
      %get3A_266 = arith.index_cast %get3A_265 : i32 to index
      %get3A_267 = arith.constant 64 : index
      %get3A_268 = tpu.vector_load %arg10[%get3A_266, %get3A_267] {strides = array<i32>} : memref<2x128xi32, #tpu.memory_space<vmem>>, vector<1x16xi32>,
      %get3A_269 = vector.shape_cast %get3A_268 : vector<1x16xi32> to vector<16xi32>
      %swap3A_270 = arith.constant 64 : index
      %swap3A_271 = tpu.vector_load %arg8[%swap3A_270] {strides = array<i32>} : memref<128xi32, #tpu.memory_space<vmem>>, vector<16xi32>,
      %swap3A_272 = vector.shape_cast %swap3A_271 : vector<16xi32> to vector<16xi32>
      %swap3A_273 = vector.shape_cast %get3A_269 : vector<16xi32> to vector<16xi32>
      tpu.vector_store %arg8[%swap3A_270], %swap3A_273 {strides = array<i32>} : memref<128xi32, #tpu.memory_space<vmem>>, vector<16xi32>,
      %get3A_274 = arith.constant 1 : i32
      %get3A_275 = arith.index_cast %get3A_274 : i32 to index
      %get3A_276 = arith.constant 80 : index
      %get3A_277 = tpu.vector_load %arg10[%get3A_275, %get3A_276] {strides = array<i32>} : memref<2x128xi32, #tpu.memory_space<vmem>>, vector<1x16xi32>,
      %get3A_278 = vector.shape_cast %get3A_277 : vector<1x16xi32> to vector<16xi32>
      %swap3A_279 = arith.constant 80 : index
      %swap3A_280 = tpu.vector_load %arg8[%swap3A_279] {strides = array<i32>} : memref<128xi32, #tpu.memory_space<vmem>>, vector<16xi32>,
      %swap3A_281 = vector.shape_cast %swap3A_280 : vector<16xi32> to vector<16xi32>
      %swap3A_282 = vector.shape_cast %get3A_278 : vector<16xi32> to vector<16xi32>
      tpu.vector_store %arg8[%swap3A_279], %swap3A_282 {strides = array<i32>} : memref<128xi32, #tpu.memory_space<vmem>>, vector<16xi32>,
      %get3A_283 = arith.constant 1 : i32
      %get3A_284 = arith.index_cast %get3A_283 : i32 to index
      %get3A_285 = arith.constant 96 : index
      %get3A_286 = tpu.vector_load %arg10[%get3A_284, %get3A_285] {strides = array<i32>} : memref<2x128xi32, #tpu.memory_space<vmem>>, vector<1x16xi32>,
      %get3A_287 = vector.shape_cast %get3A_286 : vector<1x16xi32> to vector<16xi32>
      %swap3A_288 = arith.constant 96 : index
      %swap3A_289 = tpu.vector_load %arg8[%swap3A_288] {strides = array<i32>} : memref<128xi32, #tpu.memory_space<vmem>>, vector<16xi32>,
      %swap3A_290 = vector.shape_cast %swap3A_289 : vector<16xi32> to vector<16xi32>
      %swap3A_291 = vector.shape_cast %get3A_287 : vector<16xi32> to vector<16xi32>
      tpu.vector_store %arg8[%swap3A_288], %swap3A_291 {strides = array<i32>} : memref<128xi32, #tpu.memory_space<vmem>>, vector<16xi32>,
      %get3A_292 = arith.constant 1 : i32
      %get3A_293 = arith.index_cast %get3A_292 : i32 to index
      %get3A_294 = arith.constant 112 : index
      %get3A_295 = tpu.vector_load %arg10[%get3A_293, %get3A_294] {strides = array<i32>} : memref<2x128xi32, #tpu.memory_space<vmem>>, vector<1x16xi32>,
      %get3A_296 = vector.shape_cast %get3A_295 : vector<1x16xi32> to vector<16xi32>
      %swap3A_297 = arith.constant 112 : index
      %swap3A_298 = tpu.vector_load %arg8[%swap3A_297] {strides = array<i32>} : memref<128xi32, #tpu.memory_space<vmem>>, vector<16xi32>,
      %swap3A_299 = vector.shape_cast %swap3A_298 : vector<16xi32> to vector<16xi32>
      %swap3A_300 = vector.shape_cast %get3A_296 : vector<16xi32> to vector<16xi32>
      tpu.vector_store %arg8[%swap3A_297], %swap3A_300 {strides = array<i32>} : memref<128xi32, #tpu.memory_space<vmem>>, vector<16xi32>,
      %dma_start3A_301 = arith.constant 0 : i32
      %dma_start3A_302 = arith.constant 0 : i32
      %dma_start3A_303 = tpu.memref_slice %arg16[%dma_start3A_301, %dma_start3A_302] : memref<10240x128xf32, #tpu.memory_space<vmem_shared>> -> memref<10240x128xf32, #tpu.memory_space<vmem_shared>>
      tpu.enqueue_indirect_dma source(%arg14 : memref<128x128xf32, #tpu.memory_space<vmem>>) target(%dma_start3A_303 : memref<10240x128xf32, #tpu.memory_space<vmem_shared>>) offsets(%arg8 : memref<128xi32, #tpu.memory_space<vmem>>) semaphore(%arg23 : memref<!tpu.dma_semaphore, #tpu.memory_space<semaphore_mem>>) {add = true}
      %add3A_304 = arith.addi %mul3A_7, %add3A_194 : i32
      %add3A_305 = arith.constant 2 : i32
      %add3A_306 = arith.addi %add3A_304, %add3A_305 : i32
      %dma_start3A_307 = arith.constant 0 : i32
      %dma_start3A_308 = arith.constant 0 : i32
      %dma_start3A_309 = tpu.memref_slice %arg3[%add3A_306, %dma_start3A_307, %dma_start3A_308] : memref<2562x2x128xi32, #tpu.memory_space<hbm>> -> memref<1x2x128xi32, #tpu.memory_space<hbm>>
      %dma_start3A_310 = tpu.memref_squeeze %dma_start3A_309 : memref<1x2x128xi32, #tpu.memory_space<hbm>> -> memref<2x128xi32, #tpu.memory_space<hbm>>
      %dma_start3A_311 = arith.constant 0 : i32
      %dma_start3A_312 = arith.constant 0 : i32
      %dma_start3A_313 = tpu.memref_slice %arg3[%add3A_306, %dma_start3A_311, %dma_start3A_312] : memref<2562x2x128xi32, #tpu.memory_space<hbm>> -> memref<1x2x128xi32, #tpu.memory_space<hbm>>
      %dma_start3A_314 = tpu.memref_squeeze %dma_start3A_313 : memref<1x2x128xi32, #tpu.memory_space<hbm>> -> memref<2x128xi32, #tpu.memory_space<hbm>>
      tpu.enqueue_dma source(%dma_start3A_314 : memref<2x128xi32, #tpu.memory_space<hbm>>) target(%arg10 : memref<2x128xi32, #tpu.memory_space<vmem>>) target_semaphore(%arg17 : memref<!tpu.dma_semaphore, #tpu.memory_space<semaphore_mem>>)
      %add3A_315 = arith.addi %mul3A_7, %add3A_194 : i32
      %add3A_316 = arith.constant 2 : i32
      %add3A_317 = arith.addi %add3A_315, %add3A_316 : i32
      %dma_start3A_318 = arith.constant 0 : i32
      %dma_start3A_319 = arith.constant 0 : i32
      %dma_start3A_320 = tpu.memref_slice %arg4[%add3A_317, %dma_start3A_318, %dma_start3A_319] : memref<2562x8x16xf32, #tpu.memory_space<hbm>> -> memref<1x8x16xf32, #tpu.memory_space<hbm>>
      %dma_start3A_321 = tpu.memref_squeeze %dma_start3A_320 : memref<1x8x16xf32, #tpu.memory_space<hbm>> -> memref<8x16xf32, #tpu.memory_space<hbm>>
      %dma_start3A_322 = arith.constant 0 : i32
      %dma_start3A_323 = arith.constant 0 : i32
      %dma_start3A_324 = tpu.memref_slice %arg4[%add3A_317, %dma_start3A_322, %dma_start3A_323] : memref<2562x8x16xf32, #tpu.memory_space<hbm>> -> memref<1x8x16xf32, #tpu.memory_space<hbm>>
      %dma_start3A_325 = tpu.memref_squeeze %dma_start3A_324 : memref<1x8x16xf32, #tpu.memory_space<hbm>> -> memref<8x16xf32, #tpu.memory_space<hbm>>
      tpu.enqueue_dma source(%dma_start3A_325 : memref<8x16xf32, #tpu.memory_space<hbm>>) target(%arg12 : memref<8x16xf32, #tpu.memory_space<vmem>>) target_semaphore(%arg19 : memref<!tpu.dma_semaphore, #tpu.memory_space<semaphore_mem>>)
      %mul3A_326 = arith.constant 2 : i32
      %mul3A_327 = arith.muli %mul3A_326, %scan3A_190 : i32
      %add3A_328 = arith.constant 1 : i32
      %add3A_329 = arith.addi %mul3A_327, %add3A_328 : i32
      %add3A_330 = arith.addi %mul3A_7, %add3A_329 : i32
      %add3A_331 = arith.constant 1 : i32
      %add3A_332 = arith.addi %add3A_330, %add3A_331 : i32
      %dma_wait3A_333 = arith.constant 0 : i32
      %dma_wait3A_334 = arith.constant 0 : i32
      %dma_wait3A_335 = tpu.memref_slice %arg3[%add3A_332, %dma_wait3A_333, %dma_wait3A_334] : memref<2562x2x128xi32, #tpu.memory_space<hbm>> -> memref<1x2x128xi32, #tpu.memory_space<hbm>>
      %dma_wait3A_336 = tpu.memref_squeeze %dma_wait3A_335 : memref<1x2x128xi32, #tpu.memory_space<hbm>> -> memref<2x128xi32, #tpu.memory_space<hbm>>
      %dma_wait3A_337 = arith.constant 0 : i32
      %dma_wait3A_338 = arith.constant 0 : i32
      %dma_wait3A_339 = tpu.memref_slice %arg3[%add3A_332, %dma_wait3A_337, %dma_wait3A_338] : memref<2562x2x128xi32, #tpu.memory_space<hbm>> -> memref<1x2x128xi32, #tpu.memory_space<hbm>>
      %dma_wait3A_340 = tpu.memref_squeeze %dma_wait3A_339 : memref<1x2x128xi32, #tpu.memory_space<hbm>> -> memref<2x128xi32, #tpu.memory_space<hbm>>
      tpu.wait_dma2 semaphore(%arg17 : memref<!tpu.dma_semaphore, #tpu.memory_space<semaphore_mem>>) src(%dma_wait3A_340 : memref<2x128xi32, #tpu.memory_space<hbm>>) dst(%arg10 : memref<2x128xi32, #tpu.memory_space<vmem>>)
      %gt3A_341 = arith.constant 0 : i32
      %gt3A_342 = arith.cmpi sgt, %add3A_329, %gt3A_341 : i32
      %convert_element_type3A_343 = arith.extui %gt3A_342 : i1 to i32
      %cond3A_344 = arith.constant 0 : i32
      %cond3A_345 = arith.cmpi ne, %convert_element_type3A_343, %cond3A_344 : i32
      scf.if %cond3A_345 {
        %dma_wait3A_466 = arith.constant 0 : i32
        %dma_wait3A_467 = arith.constant 0 : i32
        %dma_wait3A_468 = tpu.memref_slice %arg16[%dma_wait3A_466, %dma_wait3A_467] : memref<10240x128xf32, #tpu.memory_space<vmem_shared>> -> memref<10240x128xf32, #tpu.memory_space<vmem_shared>>
        tpu.wait_indirect_dma semaphore(%arg23 : memref<!tpu.dma_semaphore, #tpu.memory_space<semaphore_mem>>) src(%arg14 : memref<128x128xf32, #tpu.memory_space<vmem>>) dst(%dma_wait3A_468 : memref<10240x128xf32, #tpu.memory_space<vmem_shared>>)
      } else {
      }
      %dma_start3A_346 = arith.constant 0 : i32
      %dma_start3A_347 = arith.constant 0 : i32
      %dma_start3A_348 = tpu.memref_slice %arg10[%dma_start3A_346, %dma_start3A_347] : memref<2x128xi32, #tpu.memory_space<vmem>> -> memref<1x128xi32, #tpu.memory_space<vmem>>
      %dma_start3A_349 = tpu.memref_squeeze %dma_start3A_348 : memref<1x128xi32, #tpu.memory_space<vmem>> -> memref<128xi32, #tpu.memory_space<vmem>>
      %dma_start3A_350 = arith.constant 0 : i32
      %dma_start3A_351 = arith.constant 0 : i32
      %dma_start3A_352 = tpu.memref_slice %arg2[%dma_start3A_350, %dma_start3A_351] : memref<10000x128xf32, #tpu.memory_space<hbm>> -> memref<10000x128xf32, #tpu.memory_space<hbm>>
      tpu.enqueue_indirect_dma source(%dma_start3A_352 : memref<10000x128xf32, #tpu.memory_space<hbm>>) target(%arg14 : memref<128x128xf32, #tpu.memory_space<vmem>>) offsets(%dma_start3A_349 : memref<128xi32, #tpu.memory_space<vmem>>) semaphore(%arg21 : memref<!tpu.dma_semaphore, #tpu.memory_space<semaphore_mem>>)
      %add3A_353 = arith.addi %mul3A_7, %add3A_329 : i32
      %dma_wait3A_354 = arith.constant 0 : i32
      %dma_wait3A_355 = arith.constant 0 : i32
      %dma_wait3A_356 = tpu.memref_slice %arg4[%add3A_353, %dma_wait3A_354, %dma_wait3A_355] : memref<2562x8x16xf32, #tpu.memory_space<hbm>> -> memref<1x8x16xf32, #tpu.memory_space<hbm>>
      %dma_wait3A_357 = tpu.memref_squeeze %dma_wait3A_356 : memref<1x8x16xf32, #tpu.memory_space<hbm>> -> memref<8x16xf32, #tpu.memory_space<hbm>>
      %dma_wait3A_358 = arith.constant 0 : i32
      %dma_wait3A_359 = arith.constant 0 : i32
      %dma_wait3A_360 = tpu.memref_slice %arg4[%add3A_353, %dma_wait3A_358, %dma_wait3A_359] : memref<2562x8x16xf32, #tpu.memory_space<hbm>> -> memref<1x8x16xf32, #tpu.memory_space<hbm>>
      %dma_wait3A_361 = tpu.memref_squeeze %dma_wait3A_360 : memref<1x8x16xf32, #tpu.memory_space<hbm>> -> memref<8x16xf32, #tpu.memory_space<hbm>>
      tpu.wait_dma2 semaphore(%arg20 : memref<!tpu.dma_semaphore, #tpu.memory_space<semaphore_mem>>) src(%dma_wait3A_361 : memref<8x16xf32, #tpu.memory_space<hbm>>) dst(%arg13 : memref<8x16xf32, #tpu.memory_space<vmem>>)
      %dma_wait3A_362 = arith.constant 0 : i32
      %dma_wait3A_363 = arith.constant 0 : i32
      %dma_wait3A_364 = tpu.memref_slice %arg11[%dma_wait3A_362, %dma_wait3A_363] : memref<2x128xi32, #tpu.memory_space<vmem>> -> memref<1x128xi32, #tpu.memory_space<vmem>>
      %dma_wait3A_365 = tpu.memref_squeeze %dma_wait3A_364 : memref<1x128xi32, #tpu.memory_space<vmem>> -> memref<128xi32, #tpu.memory_space<vmem>>
      %dma_wait3A_366 = arith.constant 0 : i32
      %dma_wait3A_367 = arith.constant 0 : i32
      %dma_wait3A_368 = tpu.memref_slice %arg2[%dma_wait3A_366, %dma_wait3A_367] : memref<10000x128xf32, #tpu.memory_space<hbm>> -> memref<10000x128xf32, #tpu.memory_space<hbm>>
      tpu.wait_indirect_dma semaphore(%arg22 : memref<!tpu.dma_semaphore, #tpu.memory_space<semaphore_mem>>) src(%dma_wait3A_368 : memref<10000x128xf32, #tpu.memory_space<hbm>>) dst(%arg15 : memref<128x128xf32, #tpu.memory_space<vmem>>)
      %get3A_369 = arith.constant 1 : i32
      %get3A_370 = arith.index_cast %get3A_369 : i32 to index
      %get3A_371 = arith.constant 0 : index
      %get3A_372 = tpu.vector_load %arg11[%get3A_370, %get3A_371] {strides = array<i32>} : memref<2x128xi32, #tpu.memory_space<vmem>>, vector<1x16xi32>,
      %get3A_373 = vector.shape_cast %get3A_372 : vector<1x16xi32> to vector<16xi32>
      %swap3A_374 = arith.constant 0 : index
      %swap3A_375 = tpu.vector_load %arg9[%swap3A_374] {strides = array<i32>} : memref<128xi32, #tpu.memory_space<vmem>>, vector<16xi32>,
      %swap3A_376 = vector.shape_cast %swap3A_375 : vector<16xi32> to vector<16xi32>
      %swap3A_377 = vector.shape_cast %get3A_373 : vector<16xi32> to vector<16xi32>
      tpu.vector_store %arg9[%swap3A_374], %swap3A_377 {strides = array<i32>} : memref<128xi32, #tpu.memory_space<vmem>>, vector<16xi32>,
      %get3A_378 = arith.constant 1 : i32
      %get3A_379 = arith.index_cast %get3A_378 : i32 to index
      %get3A_380 = arith.constant 16 : index
      %get3A_381 = tpu.vector_load %arg11[%get3A_379, %get3A_380] {strides = array<i32>} : memref<2x128xi32, #tpu.memory_space<vmem>>, vector<1x16xi32>,
      %get3A_382 = vector.shape_cast %get3A_381 : vector<1x16xi32> to vector<16xi32>
      %swap3A_383 = arith.constant 16 : index
      %swap3A_384 = tpu.vector_load %arg9[%swap3A_383] {strides = array<i32>} : memref<128xi32, #tpu.memory_space<vmem>>, vector<16xi32>,
      %swap3A_385 = vector.shape_cast %swap3A_384 : vector<16xi32> to vector<16xi32>
      %swap3A_386 = vector.shape_cast %get3A_382 : vector<16xi32> to vector<16xi32>
      tpu.vector_store %arg9[%swap3A_383], %swap3A_386 {strides = array<i32>} : memref<128xi32, #tpu.memory_space<vmem>>, vector<16xi32>,
      %get3A_387 = arith.constant 1 : i32
      %get3A_388 = arith.index_cast %get3A_387 : i32 to index
      %get3A_389 = arith.constant 32 : index
      %get3A_390 = tpu.vector_load %arg11[%get3A_388, %get3A_389] {strides = array<i32>} : memref<2x128xi32, #tpu.memory_space<vmem>>, vector<1x16xi32>,
      %get3A_391 = vector.shape_cast %get3A_390 : vector<1x16xi32> to vector<16xi32>
      %swap3A_392 = arith.constant 32 : index
      %swap3A_393 = tpu.vector_load %arg9[%swap3A_392] {strides = array<i32>} : memref<128xi32, #tpu.memory_space<vmem>>, vector<16xi32>,
      %swap3A_394 = vector.shape_cast %swap3A_393 : vector<16xi32> to vector<16xi32>
      %swap3A_395 = vector.shape_cast %get3A_391 : vector<16xi32> to vector<16xi32>
      tpu.vector_store %arg9[%swap3A_392], %swap3A_395 {strides = array<i32>} : memref<128xi32, #tpu.memory_space<vmem>>, vector<16xi32>,
      %get3A_396 = arith.constant 1 : i32
      %get3A_397 = arith.index_cast %get3A_396 : i32 to index
      %get3A_398 = arith.constant 48 : index
      %get3A_399 = tpu.vector_load %arg11[%get3A_397, %get3A_398] {strides = array<i32>} : memref<2x128xi32, #tpu.memory_space<vmem>>, vector<1x16xi32>,
      %get3A_400 = vector.shape_cast %get3A_399 : vector<1x16xi32> to vector<16xi32>
      %swap3A_401 = arith.constant 48 : index
      %swap3A_402 = tpu.vector_load %arg9[%swap3A_401] {strides = array<i32>} : memref<128xi32, #tpu.memory_space<vmem>>, vector<16xi32>,
      %swap3A_403 = vector.shape_cast %swap3A_402 : vector<16xi32> to vector<16xi32>
      %swap3A_404 = vector.shape_cast %get3A_400 : vector<16xi32> to vector<16xi32>
      tpu.vector_store %arg9[%swap3A_401], %swap3A_404 {strides = array<i32>} : memref<128xi32, #tpu.memory_space<vmem>>, vector<16xi32>,
      %get3A_405 = arith.constant 1 : i32
      %get3A_406 = arith.index_cast %get3A_405 : i32 to index
      %get3A_407 = arith.constant 64 : index
      %get3A_408 = tpu.vector_load %arg11[%get3A_406, %get3A_407] {strides = array<i32>} : memref<2x128xi32, #tpu.memory_space<vmem>>, vector<1x16xi32>,
      %get3A_409 = vector.shape_cast %get3A_408 : vector<1x16xi32> to vector<16xi32>
      %swap3A_410 = arith.constant 64 : index
      %swap3A_411 = tpu.vector_load %arg9[%swap3A_410] {strides = array<i32>} : memref<128xi32, #tpu.memory_space<vmem>>, vector<16xi32>,
      %swap3A_412 = vector.shape_cast %swap3A_411 : vector<16xi32> to vector<16xi32>
      %swap3A_413 = vector.shape_cast %get3A_409 : vector<16xi32> to vector<16xi32>
      tpu.vector_store %arg9[%swap3A_410], %swap3A_413 {strides = array<i32>} : memref<128xi32, #tpu.memory_space<vmem>>, vector<16xi32>,
      %get3A_414 = arith.constant 1 : i32
      %get3A_415 = arith.index_cast %get3A_414 : i32 to index
      %get3A_416 = arith.constant 80 : index
      %get3A_417 = tpu.vector_load %arg11[%get3A_415, %get3A_416] {strides = array<i32>} : memref<2x128xi32, #tpu.memory_space<vmem>>, vector<1x16xi32>,
      %get3A_418 = vector.shape_cast %get3A_417 : vector<1x16xi32> to vector<16xi32>
      %swap3A_419 = arith.constant 80 : index
      %swap3A_420 = tpu.vector_load %arg9[%swap3A_419] {strides = array<i32>} : memref<128xi32, #tpu.memory_space<vmem>>, vector<16xi32>,
      %swap3A_421 = vector.shape_cast %swap3A_420 : vector<16xi32> to vector<16xi32>
      %swap3A_422 = vector.shape_cast %get3A_418 : vector<16xi32> to vector<16xi32>
      tpu.vector_store %arg9[%swap3A_419], %swap3A_422 {strides = array<i32>} : memref<128xi32, #tpu.memory_space<vmem>>, vector<16xi32>,
      %get3A_423 = arith.constant 1 : i32
      %get3A_424 = arith.index_cast %get3A_423 : i32 to index
      %get3A_425 = arith.constant 96 : index
      %get3A_426 = tpu.vector_load %arg11[%get3A_424, %get3A_425] {strides = array<i32>} : memref<2x128xi32, #tpu.memory_space<vmem>>, vector<1x16xi32>,
      %get3A_427 = vector.shape_cast %get3A_426 : vector<1x16xi32> to vector<16xi32>
      %swap3A_428 = arith.constant 96 : index
      %swap3A_429 = tpu.vector_load %arg9[%swap3A_428] {strides = array<i32>} : memref<128xi32, #tpu.memory_space<vmem>>, vector<16xi32>,
      %swap3A_430 = vector.shape_cast %swap3A_429 : vector<16xi32> to vector<16xi32>
      %swap3A_431 = vector.shape_cast %get3A_427 : vector<16xi32> to vector<16xi32>
      tpu.vector_store %arg9[%swap3A_428], %swap3A_431 {strides = array<i32>} : memref<128xi32, #tpu.memory_space<vmem>>, vector<16xi32>,
      %get3A_432 = arith.constant 1 : i32
      %get3A_433 = arith.index_cast %get3A_432 : i32 to index
      %get3A_434 = arith.constant 112 : index
      %get3A_435 = tpu.vector_load %arg11[%get3A_433, %get3A_434] {strides = array<i32>} : memref<2x128xi32, #tpu.memory_space<vmem>>, vector<1x16xi32>,
      %get3A_436 = vector.shape_cast %get3A_435 : vector<1x16xi32> to vector<16xi32>
      %swap3A_437 = arith.constant 112 : index
      %swap3A_438 = tpu.vector_load %arg9[%swap3A_437] {strides = array<i32>} : memref<128xi32, #tpu.memory_space<vmem>>, vector<16xi32>,
      %swap3A_439 = vector.shape_cast %swap3A_438 : vector<16xi32> to vector<16xi32>
      %swap3A_440 = vector.shape_cast %get3A_436 : vector<16xi32> to vector<16xi32>
      tpu.vector_store %arg9[%swap3A_437], %swap3A_440 {strides = array<i32>} : memref<128xi32, #tpu.memory_space<vmem>>, vector<16xi32>,
      %dma_start3A_441 = arith.constant 0 : i32
      %dma_start3A_442 = arith.constant 0 : i32
      %dma_start3A_443 = tpu.memref_slice %arg16[%dma_start3A_441, %dma_start3A_442] : memref<10240x128xf32, #tpu.memory_space<vmem_shared>> -> memref<10240x128xf32, #tpu.memory_space<vmem_shared>>
      tpu.enqueue_indirect_dma source(%arg15 : memref<128x128xf32, #tpu.memory_space<vmem>>) target(%dma_start3A_443 : memref<10240x128xf32, #tpu.memory_space<vmem_shared>>) offsets(%arg9 : memref<128xi32, #tpu.memory_space<vmem>>) semaphore(%arg24 : memref<!tpu.dma_semaphore, #tpu.memory_space<semaphore_mem>>) {add = true}
      %add3A_444 = arith.addi %mul3A_7, %add3A_329 : i32
      %add3A_445 = arith.constant 2 : i32
      %add3A_446 = arith.addi %add3A_444, %add3A_445 : i32
      %dma_start3A_447 = arith.constant 0 : i32
      %dma_start3A_448 = arith.constant 0 : i32
      %dma_start3A_449 = tpu.memref_slice %arg3[%add3A_446, %dma_start3A_447, %dma_start3A_448] : memref<2562x2x128xi32, #tpu.memory_space<hbm>> -> memref<1x2x128xi32, #tpu.memory_space<hbm>>
      %dma_start3A_450 = tpu.memref_squeeze %dma_start3A_449 : memref<1x2x128xi32, #tpu.memory_space<hbm>> -> memref<2x128xi32, #tpu.memory_space<hbm>>
      %dma_start3A_451 = arith.constant 0 : i32
      %dma_start3A_452 = arith.constant 0 : i32
      %dma_start3A_453 = tpu.memref_slice %arg3[%add3A_446, %dma_start3A_451, %dma_start3A_452] : memref<2562x2x128xi32, #tpu.memory_space<hbm>> -> memref<1x2x128xi32, #tpu.memory_space<hbm>>
      %dma_start3A_454 = tpu.memref_squeeze %dma_start3A_453 : memref<1x2x128xi32, #tpu.memory_space<hbm>> -> memref<2x128xi32, #tpu.memory_space<hbm>>
      tpu.enqueue_dma source(%dma_start3A_454 : memref<2x128xi32, #tpu.memory_space<hbm>>) target(%arg11 : memref<2x128xi32, #tpu.memory_space<vmem>>) target_semaphore(%arg18 : memref<!tpu.dma_semaphore, #tpu.memory_space<semaphore_mem>>)
      %add3A_455 = arith.addi %mul3A_7, %add3A_329 : i32
      %add3A_456 = arith.constant 2 : i32
      %add3A_457 = arith.addi %add3A_455, %add3A_456 : i32
      %dma_start3A_458 = arith.constant 0 : i32
      %dma_start3A_459 = arith.constant 0 : i32
      %dma_start3A_460 = tpu.memref_slice %arg4[%add3A_457, %dma_start3A_458, %dma_start3A_459] : memref<2562x8x16xf32, #tpu.memory_space<hbm>> -> memref<1x8x16xf32, #tpu.memory_space<hbm>>
      %dma_start3A_461 = tpu.memref_squeeze %dma_start3A_460 : memref<1x8x16xf32, #tpu.memory_space<hbm>> -> memref<8x16xf32, #tpu.memory_space<hbm>>
      %dma_start3A_462 = arith.constant 0 : i32
      %dma_start3A_463 = arith.constant 0 : i32
      %dma_start3A_464 = tpu.memref_slice %arg4[%add3A_457, %dma_start3A_462, %dma_start3A_463] : memref<2562x8x16xf32, #tpu.memory_space<hbm>> -> memref<1x8x16xf32, #tpu.memory_space<hbm>>
      %dma_start3A_465 = tpu.memref_squeeze %dma_start3A_464 : memref<1x8x16xf32, #tpu.memory_space<hbm>> -> memref<8x16xf32, #tpu.memory_space<hbm>>
      tpu.enqueue_dma source(%dma_start3A_465 : memref<8x16xf32, #tpu.memory_space<hbm>>) target(%arg13 : memref<8x16xf32, #tpu.memory_space<vmem>>) target_semaphore(%arg20 : memref<!tpu.dma_semaphore, #tpu.memory_space<semaphore_mem>>)
    }
    %scan3A_73 = arith.constant 40 : i32
    %dma_wait3A_74 = arith.constant 0 : i32
    %dma_wait3A_75 = arith.constant 0 : i32
    %dma_wait3A_76 = tpu.memref_slice %arg10[%dma_wait3A_74, %dma_wait3A_75] : memref<2x128xi32, #tpu.memory_space<vmem>> -> memref<1x128xi32, #tpu.memory_space<vmem>>
    %dma_wait3A_77 = tpu.memref_squeeze %dma_wait3A_76 : memref<1x128xi32, #tpu.memory_space<vmem>> -> memref<128xi32, #tpu.memory_space<vmem>>
    %dma_wait3A_78 = arith.constant 0 : i32
    %dma_wait3A_79 = arith.constant 0 : i32
    %dma_wait3A_80 = tpu.memref_slice %arg2[%dma_wait3A_78, %dma_wait3A_79] : memref<10000x128xf32, #tpu.memory_space<hbm>> -> memref<10000x128xf32, #tpu.memory_space<hbm>>
    tpu.wait_indirect_dma semaphore(%arg21 : memref<!tpu.dma_semaphore, #tpu.memory_space<semaphore_mem>>) src(%dma_wait3A_80 : memref<10000x128xf32, #tpu.memory_space<hbm>>) dst(%arg14 : memref<128x128xf32, #tpu.memory_space<vmem>>)
    %add3A_81 = arith.constant 80 : i32
    %add3A_82 = arith.addi %mul3A_7, %add3A_81 : i32
    %add3A_83 = arith.constant 1 : i32
    %add3A_84 = arith.addi %add3A_82, %add3A_83 : i32
    %dma_wait3A_85 = arith.constant 0 : i32
    %dma_wait3A_86 = arith.constant 0 : i32
    %dma_wait3A_87 = tpu.memref_slice %arg3[%add3A_84, %dma_wait3A_85, %dma_wait3A_86] : memref<2562x2x128xi32, #tpu.memory_space<hbm>> -> memref<1x2x128xi32, #tpu.memory_space<hbm>>
    %dma_wait3A_88 = tpu.memref_squeeze %dma_wait3A_87 : memref<1x2x128xi32, #tpu.memory_space<hbm>> -> memref<2x128xi32, #tpu.memory_space<hbm>>
    %dma_wait3A_89 = arith.constant 0 : i32
    %dma_wait3A_90 = arith.constant 0 : i32
    %dma_wait3A_91 = tpu.memref_slice %arg3[%add3A_84, %dma_wait3A_89, %dma_wait3A_90] : memref<2562x2x128xi32, #tpu.memory_space<hbm>> -> memref<1x2x128xi32, #tpu.memory_space<hbm>>
    %dma_wait3A_92 = tpu.memref_squeeze %dma_wait3A_91 : memref<1x2x128xi32, #tpu.memory_space<hbm>> -> memref<2x128xi32, #tpu.memory_space<hbm>>
    tpu.wait_dma2 semaphore(%arg18 : memref<!tpu.dma_semaphore, #tpu.memory_space<semaphore_mem>>) src(%dma_wait3A_92 : memref<2x128xi32, #tpu.memory_space<hbm>>) dst(%arg11 : memref<2x128xi32, #tpu.memory_space<vmem>>)
    %add3A_93 = arith.constant 80 : i32
    %add3A_94 = arith.addi %mul3A_7, %add3A_93 : i32
    %dma_wait3A_95 = arith.constant 0 : i32
    %dma_wait3A_96 = arith.constant 0 : i32
    %dma_wait3A_97 = tpu.memref_slice %arg4[%add3A_94, %dma_wait3A_95, %dma_wait3A_96] : memref<2562x8x16xf32, #tpu.memory_space<hbm>> -> memref<1x8x16xf32, #tpu.memory_space<hbm>>
    %dma_wait3A_98 = tpu.memref_squeeze %dma_wait3A_97 : memref<1x8x16xf32, #tpu.memory_space<hbm>> -> memref<8x16xf32, #tpu.memory_space<hbm>>
    %dma_wait3A_99 = arith.constant 0 : i32
    %dma_wait3A_100 = arith.constant 0 : i32
    %dma_wait3A_101 = tpu.memref_slice %arg4[%add3A_94, %dma_wait3A_99, %dma_wait3A_100] : memref<2562x8x16xf32, #tpu.memory_space<hbm>> -> memref<1x8x16xf32, #tpu.memory_space<hbm>>
    %dma_wait3A_102 = tpu.memref_squeeze %dma_wait3A_101 : memref<1x8x16xf32, #tpu.memory_space<hbm>> -> memref<8x16xf32, #tpu.memory_space<hbm>>
    tpu.wait_dma2 semaphore(%arg19 : memref<!tpu.dma_semaphore, #tpu.memory_space<semaphore_mem>>) src(%dma_wait3A_102 : memref<8x16xf32, #tpu.memory_space<hbm>>) dst(%arg12 : memref<8x16xf32, #tpu.memory_space<vmem>>)
    %add3A_103 = arith.constant 80 : i32
    %add3A_104 = arith.addi %mul3A_7, %add3A_103 : i32
    %add3A_105 = arith.constant 1 : i32
    %add3A_106 = arith.addi %add3A_104, %add3A_105 : i32
    %dma_wait3A_107 = arith.constant 0 : i32
    %dma_wait3A_108 = arith.constant 0 : i32
    %dma_wait3A_109 = tpu.memref_slice %arg4[%add3A_106, %dma_wait3A_107, %dma_wait3A_108] : memref<2562x8x16xf32, #tpu.memory_space<hbm>> -> memref<1x8x16xf32, #tpu.memory_space<hbm>>
    %dma_wait3A_110 = tpu.memref_squeeze %dma_wait3A_109 : memref<1x8x16xf32, #tpu.memory_space<hbm>> -> memref<8x16xf32, #tpu.memory_space<hbm>>
    %dma_wait3A_111 = arith.constant 0 : i32
    %dma_wait3A_112 = arith.constant 0 : i32
    %dma_wait3A_113 = tpu.memref_slice %arg4[%add3A_106, %dma_wait3A_111, %dma_wait3A_112] : memref<2562x8x16xf32, #tpu.memory_space<hbm>> -> memref<1x8x16xf32, #tpu.memory_space<hbm>>
    %dma_wait3A_114 = tpu.memref_squeeze %dma_wait3A_113 : memref<1x8x16xf32, #tpu.memory_space<hbm>> -> memref<8x16xf32, #tpu.memory_space<hbm>>
    tpu.wait_dma2 semaphore(%arg20 : memref<!tpu.dma_semaphore, #tpu.memory_space<semaphore_mem>>) src(%dma_wait3A_114 : memref<8x16xf32, #tpu.memory_space<hbm>>) dst(%arg13 : memref<8x16xf32, #tpu.memory_space<vmem>>)
    %dma_wait3A_115 = arith.constant 0 : i32
    %dma_wait3A_116 = arith.constant 0 : i32
    %dma_wait3A_117 = tpu.memref_slice %arg16[%dma_wait3A_115, %dma_wait3A_116] : memref<10240x128xf32, #tpu.memory_space<vmem_shared>> -> memref<10240x128xf32, #tpu.memory_space<vmem_shared>>
    tpu.wait_indirect_dma semaphore(%arg24 : memref<!tpu.dma_semaphore, #tpu.memory_space<semaphore_mem>>) src(%arg15 : memref<128x128xf32, #tpu.memory_space<vmem>>) dst(%dma_wait3A_117 : memref<10240x128xf32, #tpu.memory_space<vmem_shared>>)
    %barrier3A_118 = arith.constant 0 : index
    tpu.barrier barrier_id(%barrier3A_118)
    %scan3A_119 = arith.constant 0 : i32
    %scan3A_120 = arith.constant 0 : i32
    %scan3A_121 = arith.constant 128 : i32
    %scan3A_122 = arith.addi %scan3A_120, %scan3A_121 : i32
    %scan3A_123 = arith.constant 1 : i32
    scf.for %scan3A_190 = %scan3A_120 to %scan3A_122 step %scan3A_123  : i32 {
      %broadcast_in_dim3A = arith.constant 0.000000e+00 : f32
      %broadcast_in_dim3A_191 = vector.broadcast %broadcast_in_dim3A : f32 to vector<16xf32>
      %swap3A = arith.index_cast %scan3A_190 : i32 to index
      %swap3A_192 = arith.constant 0 : index
      %swap3A_193 = tpu.vector_load %arg15[%swap3A, %swap3A_192] {strides = array<i32>} : memref<128x128xf32, #tpu.memory_space<vmem>>, vector<1x16xf32>,
      %swap3A_194 = vector.shape_cast %swap3A_193 : vector<1x16xf32> to vector<16xf32>
      %swap3A_195 = vector.shape_cast %broadcast_in_dim3A_191 : vector<16xf32> to vector<1x16xf32>
      tpu.vector_store %arg15[%swap3A, %swap3A_192], %swap3A_195 {strides = array<i32>} : memref<128x128xf32, #tpu.memory_space<vmem>>, vector<1x16xf32>,
      %broadcast_in_dim3A_196 = arith.constant 0.000000e+00 : f32
      %broadcast_in_dim3A_197 = vector.broadcast %broadcast_in_dim3A_196 : f32 to vector<16xf32>
      %swap3A_198 = arith.index_cast %scan3A_190 : i32 to index
      %swap3A_199 = arith.constant 16 : index
      %swap3A_200 = tpu.vector_load %arg15[%swap3A_198, %swap3A_199] {strides = array<i32>} : memref<128x128xf32, #tpu.memory_space<vmem>>, vector<1x16xf32>,
      %swap3A_201 = vector.shape_cast %swap3A_200 : vector<1x16xf32> to vector<16xf32>
      %swap3A_202 = vector.shape_cast %broadcast_in_dim3A_197 : vector<16xf32> to vector<1x16xf32>
      tpu.vector_store %arg15[%swap3A_198, %swap3A_199], %swap3A_202 {strides = array<i32>} : memref<128x128xf32, #tpu.memory_space<vmem>>, vector<1x16xf32>,
      %broadcast_in_dim3A_203 = arith.constant 0.000000e+00 : f32
      %broadcast_in_dim3A_204 = vector.broadcast %broadcast_in_dim3A_203 : f32 to vector<16xf32>
      %swap3A_205 = arith.index_cast %scan3A_190 : i32 to index
      %swap3A_206 = arith.constant 32 : index
      %swap3A_207 = tpu.vector_load %arg15[%swap3A_205, %swap3A_206] {strides = array<i32>} : memref<128x128xf32, #tpu.memory_space<vmem>>, vector<1x16xf32>,
      %swap3A_208 = vector.shape_cast %swap3A_207 : vector<1x16xf32> to vector<16xf32>
      %swap3A_209 = vector.shape_cast %broadcast_in_dim3A_204 : vector<16xf32> to vector<1x16xf32>
      tpu.vector_store %arg15[%swap3A_205, %swap3A_206], %swap3A_209 {strides = array<i32>} : memref<128x128xf32, #tpu.memory_space<vmem>>, vector<1x16xf32>,
      %broadcast_in_dim3A_210 = arith.constant 0.000000e+00 : f32
      %broadcast_in_dim3A_211 = vector.broadcast %broadcast_in_dim3A_210 : f32 to vector<16xf32>
      %swap3A_212 = arith.index_cast %scan3A_190 : i32 to index
      %swap3A_213 = arith.constant 48 : index
      %swap3A_214 = tpu.vector_load %arg15[%swap3A_212, %swap3A_213] {strides = array<i32>} : memref<128x128xf32, #tpu.memory_space<vmem>>, vector<1x16xf32>,
      %swap3A_215 = vector.shape_cast %swap3A_214 : vector<1x16xf32> to vector<16xf32>
      %swap3A_216 = vector.shape_cast %broadcast_in_dim3A_211 : vector<16xf32> to vector<1x16xf32>
      tpu.vector_store %arg15[%swap3A_212, %swap3A_213], %swap3A_216 {strides = array<i32>} : memref<128x128xf32, #tpu.memory_space<vmem>>, vector<1x16xf32>,
      %broadcast_in_dim3A_217 = arith.constant 0.000000e+00 : f32
      %broadcast_in_dim3A_218 = vector.broadcast %broadcast_in_dim3A_217 : f32 to vector<16xf32>
      %swap3A_219 = arith.index_cast %scan3A_190 : i32 to index
      %swap3A_220 = arith.constant 64 : index
      %swap3A_221 = tpu.vector_load %arg15[%swap3A_219, %swap3A_220] {strides = array<i32>} : memref<128x128xf32, #tpu.memory_space<vmem>>, vector<1x16xf32>,
      %swap3A_222 = vector.shape_cast %swap3A_221 : vector<1x16xf32> to vector<16xf32>
      %swap3A_223 = vector.shape_cast %broadcast_in_dim3A_218 : vector<16xf32> to vector<1x16xf32>
      tpu.vector_store %arg15[%swap3A_219, %swap3A_220], %swap3A_223 {strides = array<i32>} : memref<128x128xf32, #tpu.memory_space<vmem>>, vector<1x16xf32>,
      %broadcast_in_dim3A_224 = arith.constant 0.000000e+00 : f32
      %broadcast_in_dim3A_225 = vector.broadcast %broadcast_in_dim3A_224 : f32 to vector<16xf32>
      %swap3A_226 = arith.index_cast %scan3A_190 : i32 to index
      %swap3A_227 = arith.constant 80 : index
      %swap3A_228 = tpu.vector_load %arg15[%swap3A_226, %swap3A_227] {strides = array<i32>} : memref<128x128xf32, #tpu.memory_space<vmem>>, vector<1x16xf32>,
      %swap3A_229 = vector.shape_cast %swap3A_228 : vector<1x16xf32> to vector<16xf32>
      %swap3A_230 = vector.shape_cast %broadcast_in_dim3A_225 : vector<16xf32> to vector<1x16xf32>
      tpu.vector_store %arg15[%swap3A_226, %swap3A_227], %swap3A_230 {strides = array<i32>} : memref<128x128xf32, #tpu.memory_space<vmem>>, vector<1x16xf32>,
      %broadcast_in_dim3A_231 = arith.constant 0.000000e+00 : f32
      %broadcast_in_dim3A_232 = vector.broadcast %broadcast_in_dim3A_231 : f32 to vector<16xf32>
      %swap3A_233 = arith.index_cast %scan3A_190 : i32 to index
      %swap3A_234 = arith.constant 96 : index
      %swap3A_235 = tpu.vector_load %arg15[%swap3A_233, %swap3A_234] {strides = array<i32>} : memref<128x128xf32, #tpu.memory_space<vmem>>, vector<1x16xf32>,
      %swap3A_236 = vector.shape_cast %swap3A_235 : vector<1x16xf32> to vector<16xf32>
      %swap3A_237 = vector.shape_cast %broadcast_in_dim3A_232 : vector<16xf32> to vector<1x16xf32>
      tpu.vector_store %arg15[%swap3A_233, %swap3A_234], %swap3A_237 {strides = array<i32>} : memref<128x128xf32, #tpu.memory_space<vmem>>, vector<1x16xf32>,
      %broadcast_in_dim3A_238 = arith.constant 0.000000e+00 : f32
      %broadcast_in_dim3A_239 = vector.broadcast %broadcast_in_dim3A_238 : f32 to vector<16xf32>
      %swap3A_240 = arith.index_cast %scan3A_190 : i32 to index
      %swap3A_241 = arith.constant 112 : index
      %swap3A_242 = tpu.vector_load %arg15[%swap3A_240, %swap3A_241] {strides = array<i32>} : memref<128x128xf32, #tpu.memory_space<vmem>>, vector<1x16xf32>,
      %swap3A_243 = vector.shape_cast %swap3A_242 : vector<1x16xf32> to vector<16xf32>
      %swap3A_244 = vector.shape_cast %broadcast_in_dim3A_239 : vector<16xf32> to vector<1x16xf32>
      tpu.vector_store %arg15[%swap3A_240, %swap3A_241], %swap3A_244 {strides = array<i32>} : memref<128x128xf32, #tpu.memory_space<vmem>>, vector<1x16xf32>,
    }
    %scan3A_124 = arith.constant 128 : i32
    %scan3A_125 = arith.constant 0 : i32
    %scan3A_126 = arith.constant 0 : i32
    %scan3A_127 = arith.constant 5 : i32
    %scan3A_128 = arith.addi %scan3A_126, %scan3A_127 : i32
    %scan3A_129 = arith.constant 1 : i32
    scf.for %scan3A_190 = %scan3A_126 to %scan3A_128 step %scan3A_129  : i32 {
      %iota3A = tpu.iota {dimensions = array<i32: 0>} : vector<16xi32>
      %mul3A_191 = arith.constant 128 : i32
      %mul3A_192 = arith.muli %scan3A_190, %mul3A_191 : i32
      %add3A_193 = arith.addi %mul3A_0, %mul3A_192 : i32
      %add3A_194 = arith.constant 0 : i32
      %add3A_195 = arith.addi %add3A_193, %add3A_194 : i32
      %add3A_196 = vector.broadcast %add3A_195 : i32 to vector<16xi32>
      %add3A_197 = arith.addi %iota3A, %add3A_196 : vector<16xi32>
      %swap3A = arith.constant 0 : index
      %swap3A_198 = tpu.vector_load %arg7[%swap3A] {strides = array<i32>} : memref<128xi32, #tpu.memory_space<vmem>>, vector<16xi32>,
      %swap3A_199 = vector.shape_cast %swap3A_198 : vector<16xi32> to vector<16xi32>
      %swap3A_200 = vector.shape_cast %add3A_197 : vector<16xi32> to vector<16xi32>
      tpu.vector_store %arg7[%swap3A], %swap3A_200 {strides = array<i32>} : memref<128xi32, #tpu.memory_space<vmem>>, vector<16xi32>,
      %iota3A_201 = tpu.iota {dimensions = array<i32: 0>} : vector<16xi32>
      %mul3A_202 = arith.constant 128 : i32
      %mul3A_203 = arith.muli %scan3A_190, %mul3A_202 : i32
      %add3A_204 = arith.addi %mul3A_0, %mul3A_203 : i32
      %add3A_205 = arith.constant 16 : i32
      %add3A_206 = arith.addi %add3A_204, %add3A_205 : i32
      %add3A_207 = vector.broadcast %add3A_206 : i32 to vector<16xi32>
      %add3A_208 = arith.addi %iota3A_201, %add3A_207 : vector<16xi32>
      %swap3A_209 = arith.constant 16 : index
      %swap3A_210 = tpu.vector_load %arg7[%swap3A_209] {strides = array<i32>} : memref<128xi32, #tpu.memory_space<vmem>>, vector<16xi32>,
      %swap3A_211 = vector.shape_cast %swap3A_210 : vector<16xi32> to vector<16xi32>
      %swap3A_212 = vector.shape_cast %add3A_208 : vector<16xi32> to vector<16xi32>
      tpu.vector_store %arg7[%swap3A_209], %swap3A_212 {strides = array<i32>} : memref<128xi32, #tpu.memory_space<vmem>>, vector<16xi32>,
      %iota3A_213 = tpu.iota {dimensions = array<i32: 0>} : vector<16xi32>
      %mul3A_214 = arith.constant 128 : i32
      %mul3A_215 = arith.muli %scan3A_190, %mul3A_214 : i32
      %add3A_216 = arith.addi %mul3A_0, %mul3A_215 : i32
      %add3A_217 = arith.constant 32 : i32
      %add3A_218 = arith.addi %add3A_216, %add3A_217 : i32
      %add3A_219 = vector.broadcast %add3A_218 : i32 to vector<16xi32>
      %add3A_220 = arith.addi %iota3A_213, %add3A_219 : vector<16xi32>
      %swap3A_221 = arith.constant 32 : index
      %swap3A_222 = tpu.vector_load %arg7[%swap3A_221] {strides = array<i32>} : memref<128xi32, #tpu.memory_space<vmem>>, vector<16xi32>,
      %swap3A_223 = vector.shape_cast %swap3A_222 : vector<16xi32> to vector<16xi32>
      %swap3A_224 = vector.shape_cast %add3A_220 : vector<16xi32> to vector<16xi32>
      tpu.vector_store %arg7[%swap3A_221], %swap3A_224 {strides = array<i32>} : memref<128xi32, #tpu.memory_space<vmem>>, vector<16xi32>,
      %iota3A_225 = tpu.iota {dimensions = array<i32: 0>} : vector<16xi32>
      %mul3A_226 = arith.constant 128 : i32
      %mul3A_227 = arith.muli %scan3A_190, %mul3A_226 : i32
      %add3A_228 = arith.addi %mul3A_0, %mul3A_227 : i32
      %add3A_229 = arith.constant 48 : i32
      %add3A_230 = arith.addi %add3A_228, %add3A_229 : i32
      %add3A_231 = vector.broadcast %add3A_230 : i32 to vector<16xi32>
      %add3A_232 = arith.addi %iota3A_225, %add3A_231 : vector<16xi32>
      %swap3A_233 = arith.constant 48 : index
      %swap3A_234 = tpu.vector_load %arg7[%swap3A_233] {strides = array<i32>} : memref<128xi32, #tpu.memory_space<vmem>>, vector<16xi32>,
      %swap3A_235 = vector.shape_cast %swap3A_234 : vector<16xi32> to vector<16xi32>
      %swap3A_236 = vector.shape_cast %add3A_232 : vector<16xi32> to vector<16xi32>
      tpu.vector_store %arg7[%swap3A_233], %swap3A_236 {strides = array<i32>} : memref<128xi32, #tpu.memory_space<vmem>>, vector<16xi32>,
      %iota3A_237 = tpu.iota {dimensions = array<i32: 0>} : vector<16xi32>
      %mul3A_238 = arith.constant 128 : i32
      %mul3A_239 = arith.muli %scan3A_190, %mul3A_238 : i32
      %add3A_240 = arith.addi %mul3A_0, %mul3A_239 : i32
      %add3A_241 = arith.constant 64 : i32
      %add3A_242 = arith.addi %add3A_240, %add3A_241 : i32
      %add3A_243 = vector.broadcast %add3A_242 : i32 to vector<16xi32>
      %add3A_244 = arith.addi %iota3A_237, %add3A_243 : vector<16xi32>
      %swap3A_245 = arith.constant 64 : index
      %swap3A_246 = tpu.vector_load %arg7[%swap3A_245] {strides = array<i32>} : memref<128xi32, #tpu.memory_space<vmem>>, vector<16xi32>,
      %swap3A_247 = vector.shape_cast %swap3A_246 : vector<16xi32> to vector<16xi32>
      %swap3A_248 = vector.shape_cast %add3A_244 : vector<16xi32> to vector<16xi32>
      tpu.vector_store %arg7[%swap3A_245], %swap3A_248 {strides = array<i32>} : memref<128xi32, #tpu.memory_space<vmem>>, vector<16xi32>,
      %iota3A_249 = tpu.iota {dimensions = array<i32: 0>} : vector<16xi32>
      %mul3A_250 = arith.constant 128 : i32
      %mul3A_251 = arith.muli %scan3A_190, %mul3A_250 : i32
      %add3A_252 = arith.addi %mul3A_0, %mul3A_251 : i32
      %add3A_253 = arith.constant 80 : i32
      %add3A_254 = arith.addi %add3A_252, %add3A_253 : i32
      %add3A_255 = vector.broadcast %add3A_254 : i32 to vector<16xi32>
      %add3A_256 = arith.addi %iota3A_249, %add3A_255 : vector<16xi32>
      %swap3A_257 = arith.constant 80 : index
      %swap3A_258 = tpu.vector_load %arg7[%swap3A_257] {strides = array<i32>} : memref<128xi32, #tpu.memory_space<vmem>>, vector<16xi32>,
      %swap3A_259 = vector.shape_cast %swap3A_258 : vector<16xi32> to vector<16xi32>
      %swap3A_260 = vector.shape_cast %add3A_256 : vector<16xi32> to vector<16xi32>
      tpu.vector_store %arg7[%swap3A_257], %swap3A_260 {strides = array<i32>} : memref<128xi32, #tpu.memory_space<vmem>>, vector<16xi32>,
      %iota3A_261 = tpu.iota {dimensions = array<i32: 0>} : vector<16xi32>
      %mul3A_262 = arith.constant 128 : i32
      %mul3A_263 = arith.muli %scan3A_190, %mul3A_262 : i32
      %add3A_264 = arith.addi %mul3A_0, %mul3A_263 : i32
      %add3A_265 = arith.constant 96 : i32
      %add3A_266 = arith.addi %add3A_264, %add3A_265 : i32
      %add3A_267 = vector.broadcast %add3A_266 : i32 to vector<16xi32>
      %add3A_268 = arith.addi %iota3A_261, %add3A_267 : vector<16xi32>
      %swap3A_269 = arith.constant 96 : index
      %swap3A_270 = tpu.vector_load %arg7[%swap3A_269] {strides = array<i32>} : memref<128xi32, #tpu.memory_space<vmem>>, vector<16xi32>,
      %swap3A_271 = vector.shape_cast %swap3A_270 : vector<16xi32> to vector<16xi32>
      %swap3A_272 = vector.shape_cast %add3A_268 : vector<16xi32> to vector<16xi32>
      tpu.vector_store %arg7[%swap3A_269], %swap3A_272 {strides = array<i32>} : memref<128xi32, #tpu.memory_space<vmem>>, vector<16xi32>,
      %iota3A_273 = tpu.iota {dimensions = array<i32: 0>} : vector<16xi32>
      %mul3A_274 = arith.constant 128 : i32
      %mul3A_275 = arith.muli %scan3A_190, %mul3A_274 : i32
      %add3A_276 = arith.addi %mul3A_0, %mul3A_275 : i32
      %add3A_277 = arith.constant 112 : i32
      %add3A_278 = arith.addi %add3A_276, %add3A_277 : i32
      %add3A_279 = vector.broadcast %add3A_278 : i32 to vector<16xi32>
      %add3A_280 = arith.addi %iota3A_273, %add3A_279 : vector<16xi32>
      %swap3A_281 = arith.constant 112 : index
      %swap3A_282 = tpu.vector_load %arg7[%swap3A_281] {strides = array<i32>} : memref<128xi32, #tpu.memory_space<vmem>>, vector<16xi32>,
      %swap3A_283 = vector.shape_cast %swap3A_282 : vector<16xi32> to vector<16xi32>
      %swap3A_284 = vector.shape_cast %add3A_280 : vector<16xi32> to vector<16xi32>
      tpu.vector_store %arg7[%swap3A_281], %swap3A_284 {strides = array<i32>} : memref<128xi32, #tpu.memory_space<vmem>>, vector<16xi32>,
      %dma_start3A_285 = arith.constant 0 : i32
      %dma_start3A_286 = arith.constant 0 : i32
      %dma_start3A_287 = tpu.memref_slice %arg16[%dma_start3A_285, %dma_start3A_286] : memref<10240x128xf32, #tpu.memory_space<vmem_shared>> -> memref<10240x128xf32, #tpu.memory_space<vmem_shared>>
      tpu.enqueue_indirect_dma source(%dma_start3A_287 : memref<10240x128xf32, #tpu.memory_space<vmem_shared>>) target(%arg14 : memref<128x128xf32, #tpu.memory_space<vmem>>) offsets(%arg7 : memref<128xi32, #tpu.memory_space<vmem>>) semaphore(%arg25 : memref<!tpu.dma_semaphore, #tpu.memory_space<semaphore_mem>>)
      %dma_wait3A_288 = arith.constant 0 : i32
      %dma_wait3A_289 = arith.constant 0 : i32
      %dma_wait3A_290 = tpu.memref_slice %arg16[%dma_wait3A_288, %dma_wait3A_289] : memref<10240x128xf32, #tpu.memory_space<vmem_shared>> -> memref<10240x128xf32, #tpu.memory_space<vmem_shared>>
      tpu.wait_indirect_dma semaphore(%arg25 : memref<!tpu.dma_semaphore, #tpu.memory_space<semaphore_mem>>) src(%dma_wait3A_290 : memref<10240x128xf32, #tpu.memory_space<vmem_shared>>) dst(%arg14 : memref<128x128xf32, #tpu.memory_space<vmem>>)
      %mul3A_291 = arith.constant 128 : i32
      %mul3A_292 = arith.muli %scan3A_190, %mul3A_291 : i32
      %add3A_293 = arith.addi %add3A, %mul3A_292 : i32
      "tpu.region"() ({
        %run_scoped3A = tpu.sem_alloc : memref<!tpu.dma_semaphore, #tpu.memory_space<semaphore_mem>>
        %dma_start3A_294 = arith.constant 0 : i32
        %dma_start3A_295 = tpu.memref_slice %arg5[%add3A_293, %dma_start3A_294] : memref<20480x128xf32, #tpu.memory_space<hbm>> -> memref<128x128xf32, #tpu.memory_space<hbm>>
        %dma_start3A_296 = arith.constant 0 : i32
        %dma_start3A_297 = tpu.memref_slice %arg5[%add3A_293, %dma_start3A_296] : memref<20480x128xf32, #tpu.memory_space<hbm>> -> memref<128x128xf32, #tpu.memory_space<hbm>>
        tpu.enqueue_dma source(%arg14 : memref<128x128xf32, #tpu.memory_space<vmem>>) target(%dma_start3A_297 : memref<128x128xf32, #tpu.memory_space<hbm>>) target_semaphore(%run_scoped3A : memref<!tpu.dma_semaphore, #tpu.memory_space<semaphore_mem>>)
        %dma_wait3A_298 = arith.constant 0 : i32
        %dma_wait3A_299 = tpu.memref_slice %arg5[%add3A_293, %dma_wait3A_298] : memref<20480x128xf32, #tpu.memory_space<hbm>> -> memref<128x128xf32, #tpu.memory_space<hbm>>
        %dma_wait3A_300 = arith.constant 0 : i32
        %dma_wait3A_301 = tpu.memref_slice %arg5[%add3A_293, %dma_wait3A_300] : memref<20480x128xf32, #tpu.memory_space<hbm>> -> memref<128x128xf32, #tpu.memory_space<hbm>>
        tpu.wait_dma2 semaphore(%run_scoped3A : memref<!tpu.dma_semaphore, #tpu.memory_space<semaphore_mem>>) src(%arg14 : memref<128x128xf32, #tpu.memory_space<vmem>>) dst(%dma_wait3A_301 : memref<128x128xf32, #tpu.memory_space<hbm>>)
        tpu.yield
      }) : () -> ()
      "tpu.region"() ({
        %run_scoped3A = tpu.sem_alloc : memref<!tpu.dma_semaphore, #tpu.memory_space<semaphore_mem>>
        %dma_start3A_294 = arith.constant 0 : i32
        %dma_start3A_295 = arith.constant 0 : i32
        %dma_start3A_296 = tpu.memref_slice %arg16[%dma_start3A_294, %dma_start3A_295] : memref<10240x128xf32, #tpu.memory_space<vmem_shared>> -> memref<10240x128xf32, #tpu.memory_space<vmem_shared>>
        tpu.enqueue_indirect_dma source(%arg15 : memref<128x128xf32, #tpu.memory_space<vmem>>) target(%dma_start3A_296 : memref<10240x128xf32, #tpu.memory_space<vmem_shared>>) offsets(%arg7 : memref<128xi32, #tpu.memory_space<vmem>>) semaphore(%run_scoped3A : memref<!tpu.dma_semaphore, #tpu.memory_space<semaphore_mem>>)
        %dma_wait3A_297 = arith.constant 0 : i32
        %dma_wait3A_298 = arith.constant 0 : i32
        %dma_wait3A_299 = tpu.memref_slice %arg16[%dma_wait3A_297, %dma_wait3A_298] : memref<10240x128xf32, #tpu.memory_space<vmem_shared>> -> memref<10240x128xf32, #tpu.memory_space<vmem_shared>>
        tpu.wait_indirect_dma semaphore(%run_scoped3A : memref<!tpu.dma_semaphore, #tpu.memory_space<semaphore_mem>>) src(%arg15 : memref<128x128xf32, #tpu.memory_space<vmem>>) dst(%dma_wait3A_299 : memref<10240x128xf32, #tpu.memory_space<vmem_shared>>)
        tpu.yield
      }) : () -> ()
    }
    %scan3A_130 = arith.constant 5 : i32
    %barrier3A_131 = arith.constant 0 : index
    tpu.barrier barrier_id(%barrier3A_131)
    %scan3A_132 = arith.constant 0 : i32
    %scan3A_133 = arith.constant 0 : i32
    %scan3A_134 = arith.constant 128 : i32
    %scan3A_135 = arith.addi %scan3A_133, %scan3A_134 : i32
    %scan3A_136 = arith.constant 1 : i32
    scf.for %scan3A_190 = %scan3A_133 to %scan3A_135 step %scan3A_136  : i32 {
      %broadcast_in_dim3A = arith.constant 1.000000e+00 : f32
      %broadcast_in_dim3A_191 = vector.broadcast %broadcast_in_dim3A : f32 to vector<16xf32>
      %swap3A = arith.index_cast %scan3A_190 : i32 to index
      %swap3A_192 = arith.constant 0 : index
      %swap3A_193 = tpu.vector_load %arg15[%swap3A, %swap3A_192] {strides = array<i32>} : memref<128x128xf32, #tpu.memory_space<vmem>>, vector<1x16xf32>,
      %swap3A_194 = vector.shape_cast %swap3A_193 : vector<1x16xf32> to vector<16xf32>
      %swap3A_195 = vector.shape_cast %broadcast_in_dim3A_191 : vector<16xf32> to vector<1x16xf32>
      tpu.vector_store %arg15[%swap3A, %swap3A_192], %swap3A_195 {strides = array<i32>} : memref<128x128xf32, #tpu.memory_space<vmem>>, vector<1x16xf32>,
      %broadcast_in_dim3A_196 = arith.constant 1.000000e+00 : f32
      %broadcast_in_dim3A_197 = vector.broadcast %broadcast_in_dim3A_196 : f32 to vector<16xf32>
      %swap3A_198 = arith.index_cast %scan3A_190 : i32 to index
      %swap3A_199 = arith.constant 16 : index
      %swap3A_200 = tpu.vector_load %arg15[%swap3A_198, %swap3A_199] {strides = array<i32>} : memref<128x128xf32, #tpu.memory_space<vmem>>, vector<1x16xf32>,
      %swap3A_201 = vector.shape_cast %swap3A_200 : vector<1x16xf32> to vector<16xf32>
      %swap3A_202 = vector.shape_cast %broadcast_in_dim3A_197 : vector<16xf32> to vector<1x16xf32>
      tpu.vector_store %arg15[%swap3A_198, %swap3A_199], %swap3A_202 {strides = array<i32>} : memref<128x128xf32, #tpu.memory_space<vmem>>, vector<1x16xf32>,
      %broadcast_in_dim3A_203 = arith.constant 1.000000e+00 : f32
      %broadcast_in_dim3A_204 = vector.broadcast %broadcast_in_dim3A_203 : f32 to vector<16xf32>
      %swap3A_205 = arith.index_cast %scan3A_190 : i32 to index
      %swap3A_206 = arith.constant 32 : index
      %swap3A_207 = tpu.vector_load %arg15[%swap3A_205, %swap3A_206] {strides = array<i32>} : memref<128x128xf32, #tpu.memory_space<vmem>>, vector<1x16xf32>,
      %swap3A_208 = vector.shape_cast %swap3A_207 : vector<1x16xf32> to vector<16xf32>
      %swap3A_209 = vector.shape_cast %broadcast_in_dim3A_204 : vector<16xf32> to vector<1x16xf32>
      tpu.vector_store %arg15[%swap3A_205, %swap3A_206], %swap3A_209 {strides = array<i32>} : memref<128x128xf32, #tpu.memory_space<vmem>>, vector<1x16xf32>,
      %broadcast_in_dim3A_210 = arith.constant 1.000000e+00 : f32
      %broadcast_in_dim3A_211 = vector.broadcast %broadcast_in_dim3A_210 : f32 to vector<16xf32>
      %swap3A_212 = arith.index_cast %scan3A_190 : i32 to index
      %swap3A_213 = arith.constant 48 : index
      %swap3A_214 = tpu.vector_load %arg15[%swap3A_212, %swap3A_213] {strides = array<i32>} : memref<128x128xf32, #tpu.memory_space<vmem>>, vector<1x16xf32>,
      %swap3A_215 = vector.shape_cast %swap3A_214 : vector<1x16xf32> to vector<16xf32>
      %swap3A_216 = vector.shape_cast %broadcast_in_dim3A_211 : vector<16xf32> to vector<1x16xf32>
      tpu.vector_store %arg15[%swap3A_212, %swap3A_213], %swap3A_216 {strides = array<i32>} : memref<128x128xf32, #tpu.memory_space<vmem>>, vector<1x16xf32>,
      %broadcast_in_dim3A_217 = arith.constant 1.000000e+00 : f32
      %broadcast_in_dim3A_218 = vector.broadcast %broadcast_in_dim3A_217 : f32 to vector<16xf32>
      %swap3A_219 = arith.index_cast %scan3A_190 : i32 to index
      %swap3A_220 = arith.constant 64 : index
      %swap3A_221 = tpu.vector_load %arg15[%swap3A_219, %swap3A_220] {strides = array<i32>} : memref<128x128xf32, #tpu.memory_space<vmem>>, vector<1x16xf32>,
      %swap3A_222 = vector.shape_cast %swap3A_221 : vector<1x16xf32> to vector<16xf32>
      %swap3A_223 = vector.shape_cast %broadcast_in_dim3A_218 : vector<16xf32> to vector<1x16xf32>
      tpu.vector_store %arg15[%swap3A_219, %swap3A_220], %swap3A_223 {strides = array<i32>} : memref<128x128xf32, #tpu.memory_space<vmem>>, vector<1x16xf32>,
      %broadcast_in_dim3A_224 = arith.constant 1.000000e+00 : f32
      %broadcast_in_dim3A_225 = vector.broadcast %broadcast_in_dim3A_224 : f32 to vector<16xf32>
      %swap3A_226 = arith.index_cast %scan3A_190 : i32 to index
      %swap3A_227 = arith.constant 80 : index
      %swap3A_228 = tpu.vector_load %arg15[%swap3A_226, %swap3A_227] {strides = array<i32>} : memref<128x128xf32, #tpu.memory_space<vmem>>, vector<1x16xf32>,
      %swap3A_229 = vector.shape_cast %swap3A_228 : vector<1x16xf32> to vector<16xf32>
      %swap3A_230 = vector.shape_cast %broadcast_in_dim3A_225 : vector<16xf32> to vector<1x16xf32>
      tpu.vector_store %arg15[%swap3A_226, %swap3A_227], %swap3A_230 {strides = array<i32>} : memref<128x128xf32, #tpu.memory_space<vmem>>, vector<1x16xf32>,
      %broadcast_in_dim3A_231 = arith.constant 1.000000e+00 : f32
      %broadcast_in_dim3A_232 = vector.broadcast %broadcast_in_dim3A_231 : f32 to vector<16xf32>
      %swap3A_233 = arith.index_cast %scan3A_190 : i32 to index
      %swap3A_234 = arith.constant 96 : index
      %swap3A_235 = tpu.vector_load %arg15[%swap3A_233, %swap3A_234] {strides = array<i32>} : memref<128x128xf32, #tpu.memory_space<vmem>>, vector<1x16xf32>,
      %swap3A_236 = vector.shape_cast %swap3A_235 : vector<1x16xf32> to vector<16xf32>
      %swap3A_237 = vector.shape_cast %broadcast_in_dim3A_232 : vector<16xf32> to vector<1x16xf32>
      tpu.vector_store %arg15[%swap3A_233, %swap3A_234], %swap3A_237 {strides = array<i32>} : memref<128x128xf32, #tpu.memory_space<vmem>>, vector<1x16xf32>,
      %broadcast_in_dim3A_238 = arith.constant 1.000000e+00 : f32
      %broadcast_in_dim3A_239 = vector.broadcast %broadcast_in_dim3A_238 : f32 to vector<16xf32>
      %swap3A_240 = arith.index_cast %scan3A_190 : i32 to index
      %swap3A_241 = arith.constant 112 : index
      %swap3A_242 = tpu.vector_load %arg15[%swap3A_240, %swap3A_241] {strides = array<i32>} : memref<128x128xf32, #tpu.memory_space<vmem>>, vector<1x16xf32>,
      %swap3A_243 = vector.shape_cast %swap3A_242 : vector<1x16xf32> to vector<16xf32>
      %swap3A_244 = vector.shape_cast %broadcast_in_dim3A_239 : vector<16xf32> to vector<1x16xf32>
      tpu.vector_store %arg15[%swap3A_240, %swap3A_241], %swap3A_244 {strides = array<i32>} : memref<128x128xf32, #tpu.memory_space<vmem>>, vector<1x16xf32>,
    }
    %scan3A_137 = arith.constant 128 : i32
    %dma_start3A_138 = arith.constant 0 : i32
    %dma_start3A_139 = arith.constant 0 : i32
    %dma_start3A_140 = tpu.memref_slice %arg3[%mul3A_7, %dma_start3A_138, %dma_start3A_139] : memref<2562x2x128xi32, #tpu.memory_space<hbm>> -> memref<1x2x128xi32, #tpu.memory_space<hbm>>
    %dma_start3A_141 = tpu.memref_squeeze %dma_start3A_140 : memref<1x2x128xi32, #tpu.memory_space<hbm>> -> memref<2x128xi32, #tpu.memory_space<hbm>>
    %dma_start3A_142 = arith.constant 0 : i32
    %dma_start3A_143 = arith.constant 0 : i32
    %dma_start3A_144 = tpu.memref_slice %arg3[%mul3A_7, %dma_start3A_142, %dma_start3A_143] : memref<2562x2x128xi32, #tpu.memory_space<hbm>> -> memref<1x2x128xi32, #tpu.memory_space<hbm>>
    %dma_start3A_145 = tpu.memref_squeeze %dma_start3A_144 : memref<1x2x128xi32, #tpu.memory_space<hbm>> -> memref<2x128xi32, #tpu.memory_space<hbm>>
    tpu.enqueue_dma source(%dma_start3A_145 : memref<2x128xi32, #tpu.memory_space<hbm>>) target(%arg10 : memref<2x128xi32, #tpu.memory_space<vmem>>) target_semaphore(%arg17 : memref<!tpu.dma_semaphore, #tpu.memory_space<semaphore_mem>>)
    %add3A_146 = arith.constant 1 : i32
    %add3A_147 = arith.addi %mul3A_7, %add3A_146 : i32
    %dma_start3A_148 = arith.constant 0 : i32
    %dma_start3A_149 = arith.constant 0 : i32
    %dma_start3A_150 = tpu.memref_slice %arg3[%add3A_147, %dma_start3A_148, %dma_start3A_149] : memref<2562x2x128xi32, #tpu.memory_space<hbm>> -> memref<1x2x128xi32, #tpu.memory_space<hbm>>
    %dma_start3A_151 = tpu.memref_squeeze %dma_start3A_150 : memref<1x2x128xi32, #tpu.memory_space<hbm>> -> memref<2x128xi32, #tpu.memory_space<hbm>>
    %dma_start3A_152 = arith.constant 0 : i32
    %dma_start3A_153 = arith.constant 0 : i32
    %dma_start3A_154 = tpu.memref_slice %arg3[%add3A_147, %dma_start3A_152, %dma_start3A_153] : memref<2562x2x128xi32, #tpu.memory_space<hbm>> -> memref<1x2x128xi32, #tpu.memory_space<hbm>>
    %dma_start3A_155 = tpu.memref_squeeze %dma_start3A_154 : memref<1x2x128xi32, #tpu.memory_space<hbm>> -> memref<2x128xi32, #tpu.memory_space<hbm>>
    tpu.enqueue_dma source(%dma_start3A_155 : memref<2x128xi32, #tpu.memory_space<hbm>>) target(%arg11 : memref<2x128xi32, #tpu.memory_space<vmem>>) target_semaphore(%arg18 : memref<!tpu.dma_semaphore, #tpu.memory_space<semaphore_mem>>)
    %scan3A_156 = arith.constant 0 : i32
    %scan3A_157 = arith.constant 0 : i32
    %scan3A_158 = arith.constant 0 : i32
    %scan3A_159 = arith.addi %scan3A_157, %scan3A_158 : i32
    %scan3A_160 = arith.constant 0 : i32
    %add3A_161 = arith.constant 80 : i32
    %add3A_162 = arith.addi %mul3A_7, %add3A_161 : i32
    %dma_wait3A_163 = arith.constant 0 : i32
    %dma_wait3A_164 = arith.constant 0 : i32
    %dma_wait3A_165 = tpu.memref_slice %arg3[%add3A_162, %dma_wait3A_163, %dma_wait3A_164] : memref<2562x2x128xi32, #tpu.memory_space<hbm>> -> memref<1x2x128xi32, #tpu.memory_space<hbm>>
    %dma_wait3A_166 = tpu.memref_squeeze %dma_wait3A_165 : memref<1x2x128xi32, #tpu.memory_space<hbm>> -> memref<2x128xi32, #tpu.memory_space<hbm>>
    %dma_wait3A_167 = arith.constant 0 : i32
    %dma_wait3A_168 = arith.constant 0 : i32
    %dma_wait3A_169 = tpu.memref_slice %arg3[%add3A_162, %dma_wait3A_167, %dma_wait3A_168] : memref<2562x2x128xi32, #tpu.memory_space<hbm>> -> memref<1x2x128xi32, #tpu.memory_space<hbm>>
    %dma_wait3A_170 = tpu.memref_squeeze %dma_wait3A_169 : memref<1x2x128xi32, #tpu.memory_space<hbm>> -> memref<2x128xi32, #tpu.memory_space<hbm>>
    tpu.wait_dma2 semaphore(%arg17 : memref<!tpu.dma_semaphore, #tpu.memory_space<semaphore_mem>>) src(%dma_wait3A_170 : memref<2x128xi32, #tpu.memory_space<hbm>>) dst(%arg10 : memref<2x128xi32, #tpu.memory_space<vmem>>)
    %add3A_171 = arith.constant 80 : i32
    %add3A_172 = arith.addi %mul3A_7, %add3A_171 : i32
    %add3A_173 = arith.constant 1 : i32
    %add3A_174 = arith.addi %add3A_172, %add3A_173 : i32
    %dma_wait3A_175 = arith.constant 0 : i32
    %dma_wait3A_176 = arith.constant 0 : i32
    %dma_wait3A_177 = tpu.memref_slice %arg3[%add3A_174, %dma_wait3A_175, %dma_wait3A_176] : memref<2562x2x128xi32, #tpu.memory_space<hbm>> -> memref<1x2x128xi32, #tpu.memory_space<hbm>>
    %dma_wait3A_178 = tpu.memref_squeeze %dma_wait3A_177 : memref<1x2x128xi32, #tpu.memory_space<hbm>> -> memref<2x128xi32, #tpu.memory_space<hbm>>
    %dma_wait3A_179 = arith.constant 0 : i32
    %dma_wait3A_180 = arith.constant 0 : i32
    %dma_wait3A_181 = tpu.memref_slice %arg3[%add3A_174, %dma_wait3A_179, %dma_wait3A_180] : memref<2562x2x128xi32, #tpu.memory_space<hbm>> -> memref<1x2x128xi32, #tpu.memory_space<hbm>>
    %dma_wait3A_182 = tpu.memref_squeeze %dma_wait3A_181 : memref<1x2x128xi32, #tpu.memory_space<hbm>> -> memref<2x128xi32, #tpu.memory_space<hbm>>
    tpu.wait_dma2 semaphore(%arg18 : memref<!tpu.dma_semaphore, #tpu.memory_space<semaphore_mem>>) src(%dma_wait3A_182 : memref<2x128xi32, #tpu.memory_space<hbm>>) dst(%arg11 : memref<2x128xi32, #tpu.memory_space<vmem>>)
    %barrier3A_183 = arith.constant 0 : index
    tpu.barrier barrier_id(%barrier3A_183)
    %scan3A_184 = arith.constant 0 : i32
    %scan3A_185 = arith.constant 0 : i32
    %scan3A_186 = arith.constant 5 : i32
    %scan3A_187 = arith.addi %scan3A_185, %scan3A_186 : i32
    %scan3A_188 = arith.constant 1 : i32
    scf.for %scan3A_190 = %scan3A_185 to %scan3A_187 step %scan3A_188  : i32 {
      %iota3A = tpu.iota {dimensions = array<i32: 0>} : vector<16xi32>
      %mul3A_191 = arith.constant 128 : i32
      %mul3A_192 = arith.muli %scan3A_190, %mul3A_191 : i32
      %add3A_193 = arith.addi %mul3A_0, %mul3A_192 : i32
      %add3A_194 = arith.constant 0 : i32
      %add3A_195 = arith.addi %add3A_193, %add3A_194 : i32
      %add3A_196 = vector.broadcast %add3A_195 : i32 to vector<16xi32>
      %add3A_197 = arith.addi %iota3A, %add3A_196 : vector<16xi32>
      %swap3A = arith.constant 0 : index
      %swap3A_198 = tpu.vector_load %arg7[%swap3A] {strides = array<i32>} : memref<128xi32, #tpu.memory_space<vmem>>, vector<16xi32>,
      %swap3A_199 = vector.shape_cast %swap3A_198 : vector<16xi32> to vector<16xi32>
      %swap3A_200 = vector.shape_cast %add3A_197 : vector<16xi32> to vector<16xi32>
      tpu.vector_store %arg7[%swap3A], %swap3A_200 {strides = array<i32>} : memref<128xi32, #tpu.memory_space<vmem>>, vector<16xi32>,
      %iota3A_201 = tpu.iota {dimensions = array<i32: 0>} : vector<16xi32>
      %mul3A_202 = arith.constant 128 : i32
      %mul3A_203 = arith.muli %scan3A_190, %mul3A_202 : i32
      %add3A_204 = arith.addi %mul3A_0, %mul3A_203 : i32
      %add3A_205 = arith.constant 16 : i32
      %add3A_206 = arith.addi %add3A_204, %add3A_205 : i32
      %add3A_207 = vector.broadcast %add3A_206 : i32 to vector<16xi32>
      %add3A_208 = arith.addi %iota3A_201, %add3A_207 : vector<16xi32>
      %swap3A_209 = arith.constant 16 : index
      %swap3A_210 = tpu.vector_load %arg7[%swap3A_209] {strides = array<i32>} : memref<128xi32, #tpu.memory_space<vmem>>, vector<16xi32>,
      %swap3A_211 = vector.shape_cast %swap3A_210 : vector<16xi32> to vector<16xi32>
      %swap3A_212 = vector.shape_cast %add3A_208 : vector<16xi32> to vector<16xi32>
      tpu.vector_store %arg7[%swap3A_209], %swap3A_212 {strides = array<i32>} : memref<128xi32, #tpu.memory_space<vmem>>, vector<16xi32>,
      %iota3A_213 = tpu.iota {dimensions = array<i32: 0>} : vector<16xi32>
      %mul3A_214 = arith.constant 128 : i32
      %mul3A_215 = arith.muli %scan3A_190, %mul3A_214 : i32
      %add3A_216 = arith.addi %mul3A_0, %mul3A_215 : i32
      %add3A_217 = arith.constant 32 : i32
      %add3A_218 = arith.addi %add3A_216, %add3A_217 : i32
      %add3A_219 = vector.broadcast %add3A_218 : i32 to vector<16xi32>
      %add3A_220 = arith.addi %iota3A_213, %add3A_219 : vector<16xi32>
      %swap3A_221 = arith.constant 32 : index
      %swap3A_222 = tpu.vector_load %arg7[%swap3A_221] {strides = array<i32>} : memref<128xi32, #tpu.memory_space<vmem>>, vector<16xi32>,
      %swap3A_223 = vector.shape_cast %swap3A_222 : vector<16xi32> to vector<16xi32>
      %swap3A_224 = vector.shape_cast %add3A_220 : vector<16xi32> to vector<16xi32>
      tpu.vector_store %arg7[%swap3A_221], %swap3A_224 {strides = array<i32>} : memref<128xi32, #tpu.memory_space<vmem>>, vector<16xi32>,
      %iota3A_225 = tpu.iota {dimensions = array<i32: 0>} : vector<16xi32>
      %mul3A_226 = arith.constant 128 : i32
      %mul3A_227 = arith.muli %scan3A_190, %mul3A_226 : i32
      %add3A_228 = arith.addi %mul3A_0, %mul3A_227 : i32
      %add3A_229 = arith.constant 48 : i32
      %add3A_230 = arith.addi %add3A_228, %add3A_229 : i32
      %add3A_231 = vector.broadcast %add3A_230 : i32 to vector<16xi32>
      %add3A_232 = arith.addi %iota3A_225, %add3A_231 : vector<16xi32>
      %swap3A_233 = arith.constant 48 : index
      %swap3A_234 = tpu.vector_load %arg7[%swap3A_233] {strides = array<i32>} : memref<128xi32, #tpu.memory_space<vmem>>, vector<16xi32>,
      %swap3A_235 = vector.shape_cast %swap3A_234 : vector<16xi32> to vector<16xi32>
      %swap3A_236 = vector.shape_cast %add3A_232 : vector<16xi32> to vector<16xi32>
      tpu.vector_store %arg7[%swap3A_233], %swap3A_236 {strides = array<i32>} : memref<128xi32, #tpu.memory_space<vmem>>, vector<16xi32>,
      %iota3A_237 = tpu.iota {dimensions = array<i32: 0>} : vector<16xi32>
      %mul3A_238 = arith.constant 128 : i32
      %mul3A_239 = arith.muli %scan3A_190, %mul3A_238 : i32
      %add3A_240 = arith.addi %mul3A_0, %mul3A_239 : i32
      %add3A_241 = arith.constant 64 : i32
      %add3A_242 = arith.addi %add3A_240, %add3A_241 : i32
      %add3A_243 = vector.broadcast %add3A_242 : i32 to vector<16xi32>
      %add3A_244 = arith.addi %iota3A_237, %add3A_243 : vector<16xi32>
      %swap3A_245 = arith.constant 64 : index
      %swap3A_246 = tpu.vector_load %arg7[%swap3A_245] {strides = array<i32>} : memref<128xi32, #tpu.memory_space<vmem>>, vector<16xi32>,
      %swap3A_247 = vector.shape_cast %swap3A_246 : vector<16xi32> to vector<16xi32>
      %swap3A_248 = vector.shape_cast %add3A_244 : vector<16xi32> to vector<16xi32>
      tpu.vector_store %arg7[%swap3A_245], %swap3A_248 {strides = array<i32>} : memref<128xi32, #tpu.memory_space<vmem>>, vector<16xi32>,
      %iota3A_249 = tpu.iota {dimensions = array<i32: 0>} : vector<16xi32>
      %mul3A_250 = arith.constant 128 : i32
      %mul3A_251 = arith.muli %scan3A_190, %mul3A_250 : i32
      %add3A_252 = arith.addi %mul3A_0, %mul3A_251 : i32
      %add3A_253 = arith.constant 80 : i32
      %add3A_254 = arith.addi %add3A_252, %add3A_253 : i32
      %add3A_255 = vector.broadcast %add3A_254 : i32 to vector<16xi32>
      %add3A_256 = arith.addi %iota3A_249, %add3A_255 : vector<16xi32>
      %swap3A_257 = arith.constant 80 : index
      %swap3A_258 = tpu.vector_load %arg7[%swap3A_257] {strides = array<i32>} : memref<128xi32, #tpu.memory_space<vmem>>, vector<16xi32>,
      %swap3A_259 = vector.shape_cast %swap3A_258 : vector<16xi32> to vector<16xi32>
      %swap3A_260 = vector.shape_cast %add3A_256 : vector<16xi32> to vector<16xi32>
      tpu.vector_store %arg7[%swap3A_257], %swap3A_260 {strides = array<i32>} : memref<128xi32, #tpu.memory_space<vmem>>, vector<16xi32>,
      %iota3A_261 = tpu.iota {dimensions = array<i32: 0>} : vector<16xi32>
      %mul3A_262 = arith.constant 128 : i32
      %mul3A_263 = arith.muli %scan3A_190, %mul3A_262 : i32
      %add3A_264 = arith.addi %mul3A_0, %mul3A_263 : i32
      %add3A_265 = arith.constant 96 : i32
      %add3A_266 = arith.addi %add3A_264, %add3A_265 : i32
      %add3A_267 = vector.broadcast %add3A_266 : i32 to vector<16xi32>
      %add3A_268 = arith.addi %iota3A_261, %add3A_267 : vector<16xi32>
      %swap3A_269 = arith.constant 96 : index
      %swap3A_270 = tpu.vector_load %arg7[%swap3A_269] {strides = array<i32>} : memref<128xi32, #tpu.memory_space<vmem>>, vector<16xi32>,
      %swap3A_271 = vector.shape_cast %swap3A_270 : vector<16xi32> to vector<16xi32>
      %swap3A_272 = vector.shape_cast %add3A_268 : vector<16xi32> to vector<16xi32>
      tpu.vector_store %arg7[%swap3A_269], %swap3A_272 {strides = array<i32>} : memref<128xi32, #tpu.memory_space<vmem>>, vector<16xi32>,
      %iota3A_273 = tpu.iota {dimensions = array<i32: 0>} : vector<16xi32>
      %mul3A_274 = arith.constant 128 : i32
      %mul3A_275 = arith.muli %scan3A_190, %mul3A_274 : i32
      %add3A_276 = arith.addi %mul3A_0, %mul3A_275 : i32
      %add3A_277 = arith.constant 112 : i32
      %add3A_278 = arith.addi %add3A_276, %add3A_277 : i32
      %add3A_279 = vector.broadcast %add3A_278 : i32 to vector<16xi32>
      %add3A_280 = arith.addi %iota3A_273, %add3A_279 : vector<16xi32>
      %swap3A_281 = arith.constant 112 : index
      %swap3A_282 = tpu.vector_load %arg7[%swap3A_281] {strides = array<i32>} : memref<128xi32, #tpu.memory_space<vmem>>, vector<16xi32>,
      %swap3A_283 = vector.shape_cast %swap3A_282 : vector<16xi32> to vector<16xi32>
      %swap3A_284 = vector.shape_cast %add3A_280 : vector<16xi32> to vector<16xi32>
      tpu.vector_store %arg7[%swap3A_281], %swap3A_284 {strides = array<i32>} : memref<128xi32, #tpu.memory_space<vmem>>, vector<16xi32>,
      %dma_start3A_285 = arith.constant 0 : i32
      %dma_start3A_286 = arith.constant 0 : i32
      %dma_start3A_287 = tpu.memref_slice %arg16[%dma_start3A_285, %dma_start3A_286] : memref<10240x128xf32, #tpu.memory_space<vmem_shared>> -> memref<10240x128xf32, #tpu.memory_space<vmem_shared>>
      tpu.enqueue_indirect_dma source(%dma_start3A_287 : memref<10240x128xf32, #tpu.memory_space<vmem_shared>>) target(%arg14 : memref<128x128xf32, #tpu.memory_space<vmem>>) offsets(%arg7 : memref<128xi32, #tpu.memory_space<vmem>>) semaphore(%arg25 : memref<!tpu.dma_semaphore, #tpu.memory_space<semaphore_mem>>)
      %dma_wait3A_288 = arith.constant 0 : i32
      %dma_wait3A_289 = arith.constant 0 : i32
      %dma_wait3A_290 = tpu.memref_slice %arg16[%dma_wait3A_288, %dma_wait3A_289] : memref<10240x128xf32, #tpu.memory_space<vmem_shared>> -> memref<10240x128xf32, #tpu.memory_space<vmem_shared>>
      tpu.wait_indirect_dma semaphore(%arg25 : memref<!tpu.dma_semaphore, #tpu.memory_space<semaphore_mem>>) src(%dma_wait3A_290 : memref<10240x128xf32, #tpu.memory_space<vmem_shared>>) dst(%arg14 : memref<128x128xf32, #tpu.memory_space<vmem>>)
      %mul3A_291 = arith.constant 128 : i32
      %mul3A_292 = arith.muli %scan3A_190, %mul3A_291 : i32
      %add3A_293 = arith.addi %add3A, %mul3A_292 : i32
      "tpu.region"() ({
        %run_scoped3A = tpu.sem_alloc : memref<!tpu.dma_semaphore, #tpu.memory_space<semaphore_mem>>
        %dma_start3A_294 = arith.constant 0 : i32
        %dma_start3A_295 = tpu.memref_slice %arg6[%add3A_293, %dma_start3A_294] : memref<20480x128xf32, #tpu.memory_space<hbm>> -> memref<128x128xf32, #tpu.memory_space<hbm>>
        %dma_start3A_296 = arith.constant 0 : i32
        %dma_start3A_297 = tpu.memref_slice %arg6[%add3A_293, %dma_start3A_296] : memref<20480x128xf32, #tpu.memory_space<hbm>> -> memref<128x128xf32, #tpu.memory_space<hbm>>
        tpu.enqueue_dma source(%arg14 : memref<128x128xf32, #tpu.memory_space<vmem>>) target(%dma_start3A_297 : memref<128x128xf32, #tpu.memory_space<hbm>>) target_semaphore(%run_scoped3A : memref<!tpu.dma_semaphore, #tpu.memory_space<semaphore_mem>>)
        %dma_wait3A_298 = arith.constant 0 : i32
        %dma_wait3A_299 = tpu.memref_slice %arg6[%add3A_293, %dma_wait3A_298] : memref<20480x128xf32, #tpu.memory_space<hbm>> -> memref<128x128xf32, #tpu.memory_space<hbm>>
        %dma_wait3A_300 = arith.constant 0 : i32
        %dma_wait3A_301 = tpu.memref_slice %arg6[%add3A_293, %dma_wait3A_300] : memref<20480x128xf32, #tpu.memory_space<hbm>> -> memref<128x128xf32, #tpu.memory_space<hbm>>
        tpu.wait_dma2 semaphore(%run_scoped3A : memref<!tpu.dma_semaphore, #tpu.memory_space<semaphore_mem>>) src(%arg14 : memref<128x128xf32, #tpu.memory_space<vmem>>) dst(%dma_wait3A_301 : memref<128x128xf32, #tpu.memory_space<hbm>>)
        tpu.yield
      }) : () -> ()
    }
    %scan3A_189 = arith.constant 5 : i32
    return
  }
}

module attributes {stable_mosaic.version = 14 : i64} {
  func.func @_bn_relu_body(%arg0: memref<10000x128xf32, #tpu.memory_space<vmem>>, %arg1: memref<1x128xf32, #tpu.memory_space<vmem>>, %arg2: memref<1x128xf32, #tpu.memory_space<vmem>>, %arg3: memref<10000x128xf32, #tpu.memory_space<vmem>>) attributes {dimension_semantics = [], scalar_prefetch = 0 : i64, scratch_operands = 0 : i64, tpu.core_type = #tpu.core_type<tc>} {
    %get3A = arith.constant 0 : index
    %get3A_0 = arith.constant 0 : index
    %get3A_1 = vector.load %arg0[%get3A, %get3A_0] : memref<10000x128xf32, #tpu.memory_space<vmem>>, vector<10000x128xf32>
    %reduce_sum3A = arith.constant dense<0.000000e+00> : vector<128xf32>
    %reduce_sum3A_2 = vector.multi_reduction <add>, %get3A_1, %reduce_sum3A [0] : vector<10000x128xf32> to vector<128xf32>
    %broadcast_in_dim3A = vector.shape_cast %reduce_sum3A_2 : vector<128xf32> to vector<1x128xf32>
    %div3A = arith.constant 1.000000e+04 : f32
    %div3A_3 = vector.broadcast %div3A : f32 to vector<1x128xf32>
    %div3A_4 = arith.divf %broadcast_in_dim3A, %div3A_3 : vector<1x128xf32>
    %sub3A = vector.broadcast %div3A_4 : vector<1x128xf32> to vector<10000x128xf32>
    %sub3A_5 = arith.subf %get3A_1, %sub3A : vector<10000x128xf32>
    %integer_pow3A = arith.mulf %sub3A_5, %sub3A_5 : vector<10000x128xf32>
    %reduce_sum3A_6 = arith.constant dense<0.000000e+00> : vector<128xf32>
    %reduce_sum3A_7 = vector.multi_reduction <add>, %integer_pow3A, %reduce_sum3A_6 [0] : vector<10000x128xf32> to vector<128xf32>
    %broadcast_in_dim3A_8 = vector.shape_cast %reduce_sum3A_7 : vector<128xf32> to vector<1x128xf32>
    %div3A_9 = arith.constant 1.000000e+04 : f32
    %div3A_10 = vector.broadcast %div3A_9 : f32 to vector<1x128xf32>
    %div3A_11 = arith.divf %broadcast_in_dim3A_8, %div3A_10 : vector<1x128xf32>
    %sub3A_12 = vector.broadcast %div3A_4 : vector<1x128xf32> to vector<10000x128xf32>
    %sub3A_13 = arith.subf %get3A_1, %sub3A_12 : vector<10000x128xf32>
    %add3A = arith.constant 9.99999974E-6 : f32
    %add3A_14 = vector.broadcast %add3A : f32 to vector<1x128xf32>
    %add3A_15 = arith.addf %div3A_11, %add3A_14 : vector<1x128xf32>
    %sqrt3A = math.sqrt %add3A_15 : vector<1x128xf32>
    %div3A_16 = vector.broadcast %sqrt3A : vector<1x128xf32> to vector<10000x128xf32>
    %div3A_17 = arith.divf %sub3A_13, %div3A_16 : vector<10000x128xf32>
    %get3A_18 = arith.constant 0 : index
    %get3A_19 = arith.constant 0 : index
    %get3A_20 = vector.load %arg1[%get3A_18, %get3A_19] : memref<1x128xf32, #tpu.memory_space<vmem>>, vector<1x128xf32>
    %mul3A = vector.broadcast %get3A_20 : vector<1x128xf32> to vector<10000x128xf32>
    %mul3A_21 = arith.mulf %div3A_17, %mul3A : vector<10000x128xf32>
    %get3A_22 = arith.constant 0 : index
    %get3A_23 = arith.constant 0 : index
    %get3A_24 = vector.load %arg2[%get3A_22, %get3A_23] : memref<1x128xf32, #tpu.memory_space<vmem>>, vector<1x128xf32>
    %add3A_25 = vector.broadcast %get3A_24 : vector<1x128xf32> to vector<10000x128xf32>
    %add3A_26 = arith.addf %mul3A_21, %add3A_25 : vector<10000x128xf32>
    %max3A = arith.constant 0.000000e+00 : f32
    %max3A_27 = vector.broadcast %max3A : f32 to vector<10000x128xf32>
    %max3A_28 = arith.maximumf %add3A_26, %max3A_27 : vector<10000x128xf32>
    %swap3A = arith.constant 0 : index
    %swap3A_29 = arith.constant 0 : index
    %swap3A_30 = vector.load %arg3[%swap3A, %swap3A_29] : memref<10000x128xf32, #tpu.memory_space<vmem>>, vector<10000x128xf32>
    tpu.vector_store %arg3[%swap3A, %swap3A_29], %max3A_28 {strides = array<i32>} : memref<10000x128xf32, #tpu.memory_space<vmem>>, vector<10000x128xf32>,
    return
  }
}

module attributes {stable_mosaic.version = 14 : i64} {
  func.func @_combine_body(%arg0: i32, %arg1: memref<2000x128xf32, #tpu.memory_space<vmem>>, %arg2: memref<2x2000x128xf32, #tpu.memory_space<vmem>>, %arg3: memref<2x2000x128xf32, #tpu.memory_space<vmem>>, %arg4: memref<128x128xf32, #tpu.memory_space<vmem>>, %arg5: memref<128x128xf32, #tpu.memory_space<vmem>>, %arg6: memref<1x128xf32, #tpu.memory_space<vmem>>, %arg7: memref<2000x128xf32, #tpu.memory_space<vmem>>) attributes {dimension_semantics = [#tpu.dimension_semantics<arbitrary>], iteration_bounds = array<i64: 5>, scalar_prefetch = 0 : i64, scratch_operands = 0 : i64, tpu.core_type = #tpu.core_type<tc>, window_params = [{transform_indices = @transform_0, window_bounds = array<i64: 2000, 128>}, {transform_indices = @transform_1, window_bounds = array<i64: 2, 2000, 128>}, {transform_indices = @transform_2, window_bounds = array<i64: 2, 2000, 128>}, {pipeline_mode = #tpu.pipeline_mode<synchronous>, transform_indices = @transform_3, window_bounds = array<i64: 128, 128>}, {pipeline_mode = #tpu.pipeline_mode<synchronous>, transform_indices = @transform_4, window_bounds = array<i64: 128, 128>}, {pipeline_mode = #tpu.pipeline_mode<synchronous>, transform_indices = @transform_5, window_bounds = array<i64: 1, 128>}, {transform_indices = @transform_6, window_bounds = array<i64: 2000, 128>}]} {
    %get3A = arith.constant 0 : index
    %get3A_0 = arith.constant 0 : index
    %get3A_1 = arith.constant 0 : index
    %get3A_2 = vector.load %arg2[%get3A, %get3A_0, %get3A_1] : memref<2x2000x128xf32, #tpu.memory_space<vmem>>, vector<1x2000x128xf32>
    %get3A_3 = vector.shape_cast %get3A_2 : vector<1x2000x128xf32> to vector<2000x128xf32>
    %get3A_4 = arith.constant 1 : index
    %get3A_5 = arith.constant 0 : index
    %get3A_6 = arith.constant 0 : index
    %get3A_7 = vector.load %arg2[%get3A_4, %get3A_5, %get3A_6] : memref<2x2000x128xf32, #tpu.memory_space<vmem>>, vector<1x2000x128xf32>
    %get3A_8 = vector.shape_cast %get3A_7 : vector<1x2000x128xf32> to vector<2000x128xf32>
    %add3A = arith.addf %get3A_3, %get3A_8 : vector<2000x128xf32>
    %get3A_9 = arith.constant 0 : index
    %get3A_10 = arith.constant 0 : index
    %get3A_11 = arith.constant 0 : index
    %get3A_12 = vector.load %arg3[%get3A_9, %get3A_10, %get3A_11] : memref<2x2000x128xf32, #tpu.memory_space<vmem>>, vector<1x2000x1xf32>
    %get3A_13 = vector.shape_cast %get3A_12 : vector<1x2000x1xf32> to vector<2000x1xf32>
    %get3A_14 = arith.constant 1 : index
    %get3A_15 = arith.constant 0 : index
    %get3A_16 = arith.constant 0 : index
    %get3A_17 = vector.load %arg3[%get3A_14, %get3A_15, %get3A_16] : memref<2x2000x128xf32, #tpu.memory_space<vmem>>, vector<1x2000x1xf32>
    %get3A_18 = vector.shape_cast %get3A_17 : vector<1x2000x1xf32> to vector<2000x1xf32>
    %add3A_19 = arith.addf %get3A_13, %get3A_18 : vector<2000x1xf32>
    %max3A = arith.constant 1.000000e+00 : f32
    %max3A_20 = vector.broadcast %max3A : f32 to vector<2000x1xf32>
    %max3A_21 = arith.maximumf %add3A_19, %max3A_20 : vector<2000x1xf32>
    %div3A = vector.broadcast %max3A_21 : vector<2000x1xf32> to vector<2000x128xf32>
    %div3A_22 = arith.divf %add3A, %div3A : vector<2000x128xf32>
    %get3A_23 = arith.constant 0 : index
    %get3A_24 = arith.constant 0 : index
    %get3A_25 = vector.load %arg4[%get3A_23, %get3A_24] : memref<128x128xf32, #tpu.memory_space<vmem>>, vector<128x128xf32>
    %dot_general3A = arith.constant dense<0.000000e+00> : vector<2000x128xf32>
    %dot_general3A_26 = tpu.matmul %div3A_22, %get3A_25, %dot_general3A {dimension_numbers = #tpu.dot_dimension_numbers<[1], [0], [0], [1], [0, 0, 1, 1], [], []>, transpose_lhs_hint = false} : vector<2000x128xf32>, vector<128x128xf32>, vector<2000x128xf32> -> vector<2000x128xf32>
    %get3A_27 = arith.constant 0 : index
    %get3A_28 = arith.constant 0 : index
    %get3A_29 = vector.load %arg1[%get3A_27, %get3A_28] : memref<2000x128xf32, #tpu.memory_space<vmem>>, vector<2000x128xf32>
    %get3A_30 = arith.constant 0 : index
    %get3A_31 = arith.constant 0 : index
    %get3A_32 = vector.load %arg5[%get3A_30, %get3A_31] : memref<128x128xf32, #tpu.memory_space<vmem>>, vector<128x128xf32>
    %dot_general3A_33 = arith.constant dense<0.000000e+00> : vector<2000x128xf32>
    %dot_general3A_34 = tpu.matmul %get3A_29, %get3A_32, %dot_general3A_33 {dimension_numbers = #tpu.dot_dimension_numbers<[1], [0], [0], [1], [0, 0, 1, 1], [], []>, transpose_lhs_hint = false} : vector<2000x128xf32>, vector<128x128xf32>, vector<2000x128xf32> -> vector<2000x128xf32>
    %add3A_35 = arith.addf %dot_general3A_26, %dot_general3A_34 : vector<2000x128xf32>
    %get3A_36 = arith.constant 0 : index
    %get3A_37 = arith.constant 0 : index
    %get3A_38 = vector.load %arg6[%get3A_36, %get3A_37] : memref<1x128xf32, #tpu.memory_space<vmem>>, vector<1x128xf32>
    %add3A_39 = vector.broadcast %get3A_38 : vector<1x128xf32> to vector<2000x128xf32>
    %add3A_40 = arith.addf %add3A_35, %add3A_39 : vector<2000x128xf32>
    %swap3A = arith.constant 0 : index
    %swap3A_41 = arith.constant 0 : index
    %swap3A_42 = vector.load %arg7[%swap3A, %swap3A_41] : memref<2000x128xf32, #tpu.memory_space<vmem>>, vector<2000x128xf32>
    tpu.vector_store %arg7[%swap3A, %swap3A_41], %add3A_40 {strides = array<i32>} : memref<2000x128xf32, #tpu.memory_space<vmem>>, vector<2000x128xf32>,
    return
  }
  func.func @transform_0(%arg0: i32) -> (i32, i32) {
    %c0_i32 = arith.constant 0 : i32
    %c0_i32_0 = arith.constant 0 : i32
    return %arg0, %c0_i32 : i32, i32
  }
  func.func @transform_1(%arg0: i32) -> (i32, i32, i32) {
    %c0_i32 = arith.constant 0 : i32
    %c0_i32_0 = arith.constant 0 : i32
    %c0_i32_1 = arith.constant 0 : i32
    return %c0_i32, %arg0, %c0_i32_0 : i32, i32, i32
  }
  func.func @transform_2(%arg0: i32) -> (i32, i32, i32) {
    %c0_i32 = arith.constant 0 : i32
    %c0_i32_0 = arith.constant 0 : i32
    %c0_i32_1 = arith.constant 0 : i32
    return %c0_i32, %arg0, %c0_i32_0 : i32, i32, i32
  }
  func.func @transform_3(%arg0: i32) -> (i32, i32) {
    %c0_i32 = arith.constant 0 : i32
    %c0_i32_0 = arith.constant 0 : i32
    %c0_i32_1 = arith.constant 0 : i32
    return %c0_i32, %c0_i32_0 : i32, i32
  }
  func.func @transform_4(%arg0: i32) -> (i32, i32) {
    %c0_i32 = arith.constant 0 : i32
    %c0_i32_0 = arith.constant 0 : i32
    %c0_i32_1 = arith.constant 0 : i32
    return %c0_i32, %c0_i32_0 : i32, i32
  }
  func.func @transform_5(%arg0: i32) -> (i32, i32) {
    %c0_i32 = arith.constant 0 : i32
    %c0_i32_0 = arith.constant 0 : i32
    %c0_i32_1 = arith.constant 0 : i32
    return %c0_i32, %c0_i32_0 : i32, i32
  }
  func.func @transform_6(%arg0: i32) -> (i32, i32) {
    %c0_i32 = arith.constant 0 : i32
    %c0_i32_0 = arith.constant 0 : i32
    return %arg0, %c0_i32 : i32, i32
  }
}

</mosaic_0001>

<sc_bundles>
// kernel: kernel.5.cloned.1.call-start
scs
__scs_entry_jumppad:
0x0: {  	(pc) =	sbr.rel $0x88, $3  }
0x1: {  	(tag) =	ssettag $0x0;
	lr =	simm.s32 $0x1  }
0x2: {  	[smem:$0x3F98] =	sst lr;
	_ =	strace $0xD0000000  }
0x3: {  	_ = 	snop  }
0x4: {  	_ = 	snop  }
0x5: {  	_ = 	snop  }
0x6: {  	_ = 	snop  }
0x7: {  	_ = 	snop  }
__scs_overlays_trampoline_lowered:
0x8: {  	[smem:$0x3FA7] =	sst s0  }
0x9: {  	[smem:$0x3FA8] =	sst s1  }
0xa: {  	[smem:$0x3FA9] =	sst s2  }
0xb: {  	[smem:$0x3FAA] =	sst s3  }
0xc: {  	[smem:$0x3FAB] =	sst s4  }
0xd: {  	[smem:$0x3FAC] =	sst s5  }
0xe: {  	[smem:$0x3FAD] =	sst s6  }
0xf: {  	[smem:$0x3FAE] =	sst s7  }
0x10: {  	[smem:$0x3FAF] =	sst s8  }
0x11: {  	[smem:$0x3FB0] =	sst s9;
	s0 =	simm.s32 @!p0 $0x0  }
0x12: {  	s1 =	sld [smem:$0x3F96];
	s0 =	simm.s32 @p0 $0x1  }
0x13: {  	[smem:$0x3FB1] =	sst s0;
	s0 =	simm.s32 @!p1 $0x0  }
0x14: {  	s2 =	sld [smem:$0x3F95];
	s0 =	simm.s32 @p1 $0x1  }
0x15: {  	[smem:$0x3FB2] =	sst s0;
	s0 =	simm.s32 @!p2 $0x0  }
0x16: {  	s3 =	sld [smem:$0x3FDB];
	s0 =	simm.s32 @p2 $0x1  }
0x17: {  	s4 =	simm.s32 $0x1BF5;
	[smem:$0x3FB4] =	sst s0  }
0x18: {  	s0 =	sld [smem:$0x3F97];
	_ =	swait.ge [sflag:s4], $0x0  }
0x19: {  	s7 =	sld [smem:$0x3F98]  }
0x1a: {  	s8 =	sadd.s32 $0xFFFFE003, lr  }
0x1b: {  	s9 =	sadd.s32 $0xFFFFFEF7, lr;
	s5 =	simm.s32 $0xFFFFFFFF;
	p2 =	slt.u32 s8, $0xFFFFF086  }
0x1c: {  	p1 =	slt.u32 s9, $0xF7A;
	s5 =	simm.s32 @!p2 $0x0  }
0x1d: {  	s5 =	simm.s32 @p1 $0x1;
	p0 =	seq.s32 s7, s2  }
0x1e: {  	s7 =	smul.u32 @!p0 $0xF7A, s2;
	p2 =	seq.s32 @!p0 s5, $0x0  }
0x1f: {  	s9 =	smul.u32 $0xF7A, s1;
	s8 =	simm.s32 @!p0 $0x1BF5;
	p2 =	por !p2, p0  }
0x20: {  	[sflag:s8] =	ssyncset.s32 @!p0 $0xFFFFF086;
	s6 =	sadd.s32 @!p0 s3, s7;
	s7 =	simm.s32 @!p0 $0x108  }
0x21: {  	s3 =	sadd.s32 s3, s9;
	s6 =	sadd.s32 @!p0 $0x88, s6;
	s7 =	simm.s32 @p2 $0x1082  }
0x22: {  	[simem:s7], [sflag:s8] =	dma.local @!p0 [hbm:s6], $0xF7A  }
0x23: {  	s9 =	sor.u32 $0xD0000000, s2;
	s6 =	simm.s32 $0x108;
	_ =	swait.ge @!p0 [sflag:s8], $0x0  }
0x24: {  	s3 =	sadd.s32 $0x88, s3;
	s6 =	simm.s32 @!p1 $0x1082;
	[sflag:s4] =	ssyncset.s32 $0xFFFFF086  }
0x25: {  	[simem:s6], [sflag:s4] =	dma.local [hbm:s3], $0xF7A  }
0x26: {  	[smem:$0x3F98] =	sst s1;
	(tag) =	ssettag s2;
	_ =	strace s9  }
0x27: {  	s1 =	sld [smem:$0x3FA8]  }
0x28: {  	s2 =	sld [smem:$0x3FA9]  }
0x29: {  	s4 =	sld [smem:$0x3FAB]  }
0x2a: {  	p0 =	seq.s32 s5, $0x0;
	s5 =	sld [smem:$0x3FAC]  }
0x2b: {  	s6 =	sld [smem:$0x3FAD]  }
0x2c: {  	s7 =	sld [smem:$0x3FAE]  }
0x2d: {  	s3 =	simm.s32 $0x108;
	s8 =	sld [smem:$0x3FAF]  }
0x2e: {  	s3 =	simm.s32 @!p0 $0x1082;
	s9 =	sld [smem:$0x3FB0]  }
0x2f: {  	lr =	sadd.s32 s0, s3;
	s0 =	sld [smem:$0x3FA7]  }
0x30: {  	s3 =	sld [smem:$0x3FAA]  }
0x31: {  	[smem:$0x3FB3] =	sst s10  }
0x32: {  	s10 =	sld [smem:$0x3FB1];
	_ =	sdelay $0x3  }
0x33: {  	p0 =	seq.s32 s10, $0x1;
	s10 =	sld [smem:$0x3FB3];
	_ =	sdelay $0x3  }
0x34: {  	[smem:$0x3FB3] =	sst s10  }
0x35: {  	s10 =	sld [smem:$0x3FB2];
	_ =	sdelay $0x3  }
0x36: {  	p1 =	seq.s32 s10, $0x1;
	s10 =	sld [smem:$0x3FB3];
	_ =	sdelay $0x3  }
0x37: {  	[smem:$0x3FB3] =	sst s10  }
0x38: {  	s10 =	sld [smem:$0x3FB4]  }
0x39: {  	_ = 	snop;
	(pc) =	sbr.ind lr, $3  }
0x3a: {  	_ = 	snop  }
0x3b: {  	_ = 	snop  }
0x3c: {  	p2 =	seq.s32 s10, $0x1;
	s10 =	sld [smem:$0x3FB3]  }
0x3d: {  	_ =	shalt  }
0x3e: {  	_ =	shalt  }
0x3f: {  	_ =	shalt  }
0x40: {  	_ =	shalt  }
0x41: {  	_ =	shalt  }
0x42: {  	_ =	shalt  }
0x43: {  	_ =	shalt  }
0x44: {  	_ =	shalt  }
0x45: {  	_ =	shalt  }
0x46: {  	_ =	shalt  }
0x47: {  	_ =	shalt  }
0x48: {  	_ =	shalt  }
0x49: {  	_ =	shalt  }
0x4a: {  	_ =	shalt  }
0x4b: {  	_ =	shalt  }
0x4c: {  	_ =	shalt  }
0x4d: {  	_ =	shalt  }
0x4e: {  	_ =	shalt  }
0x4f: {  	_ =	shalt  }
0x50: {  	_ =	shalt  }
0x51: {  	_ =	shalt  }
0x52: {  	_ =	shalt  }
0x53: {  	_ =	shalt  }
0x54: {  	_ =	shalt  }
0x55: {  	_ =	shalt  }
0x56: {  	_ =	shalt  }
0x57: {  	_ =	shalt  }
0x58: {  	_ =	shalt  }
0x59: {  	_ =	shalt  }
0x5a: {  	_ =	shalt  }
0x5b: {  	_ =	shalt  }
0x5c: {  	_ =	shalt  }
0x5d: {  	_ =	shalt  }
0x5e: {  	_ =	shalt  }
0x5f: {  	_ =	shalt  }
0x60: {  	_ =	shalt  }
0x61: {  	_ =	shalt  }
0x62: {  	_ =	shalt  }
0x63: {  	_ =	shalt  }
0x64: {  	_ =	shalt  }
0x65: {  	_ =	shalt  }
0x66: {  	_ =	shalt  }
0x67: {  	_ =	shalt  }
0x68: {  	_ =	shalt  }
0x69: {  	_ =	shalt  }
0x6a: {  	_ =	shalt  }
0x6b: {  	_ =	shalt  }
0x6c: {  	_ =	shalt  }
0x6d: {  	_ =	shalt  }
0x6e: {  	_ =	shalt  }
0x6f: {  	_ =	shalt  }
0x70: {  	_ =	shalt  }
0x71: {  	_ =	shalt  }
0x72: {  	_ =	shalt  }
0x73: {  	_ =	shalt  }
0x74: {  	_ =	shalt  }
0x75: {  	_ =	shalt  }
0x76: {  	_ =	shalt  }
0x77: {  	_ =	shalt  }
0x78: {  	_ =	shalt  }
0x79: {  	_ =	shalt  }
0x7a: {  	_ =	shalt  }
0x7b: {  	_ =	shalt  }
0x7c: {  	_ =	shalt  }
0x7d: {  	_ =	shalt  }
0x7e: {  	_ =	shalt  }
0x7f: {  	_ =	shalt  }
0x80: {  	_ =	shalt  }
0x81: {  	_ =	shalt  }
0x82: {  	_ =	shalt  }
0x83: {  	_ =	shalt  }
0x84: {  	_ =	shalt  }
0x85: {  	_ =	shalt  }
0x86: {  	_ =	shalt  }
0x87: {  	_ =	shalt  }
.Lfunc_end0:
.L_simem_size_0:
called_computation_lowered:
.L_overlay_start_0:
0x88: {  	s2 =	sld [smem:$0x3FD9]  }
0x89: {  	s3 =	sld [smem:$0x3FFE];
	_ =	sdelay $0x1  }
0x8a: {  	s1 =	srdreg.scid  }
0x8b: {  	s0 =	sand.u32 $0x1, s1  }
0x8c: {  	s17 =	sshll.u32 s0, $0xA;
	s2 =	sadd.s32 s3, s2  }
0x8d: {  	s2 =	sadd.s32 s2, s17  }
0x8e: {  	[smem:$0x3FBF] =	sst s2  }
0x8f: {  	_ = 	snop  }
0x90: {  	s2 =	sld [smem:$0x3FD0];
	(tm) =	ssettm $0x1  }
0x91: {  	s18 =	sld [smem:$0x3FFB];
	_ =	sdelay $0x3  }
0x92: {  	_ =	strace s18  }
0x93: {  	s3 =	sld [smem:$0x3FFC];
	_ =	sdelay $0x3  }
0x94: {  	_ =	strace s3  }
0x95: {  	s3 =	sld [smem:$0x3FFD];
	_ =	sdelay $0x3  }
0x96: {  	_ =	strace s3  }
0x97: {  	_ =	strace $0x8FFFFFFF  }
0x98: {  	s19 =	sld [smem:$0x3FDB];
	_ =	sdelay $0x1  }
0x99: {  	s4 =	simm.s32 $_scs_section_size  }
0x9a: {  	s5 =	simm.s32 $_size__tile_overlayer_lowered;
	s6 =	simm.s32 $_tile_overlayer_lowered  }
0x9b: {  	s22 =	simm.s32 $0x1BFF;
	s21 =	sshll.u32 s6, $0x1;
	s3 =	sadd.s32 s4, s19  }
0x9c: {  	s7 =	simm.s32 $0x0;
	s20 =	sshll.u32 s5, $0x1;
	s5 =	sadd.s32 s21, s3  }
0x9d: {  	[timem:s7], [sflag:s22] =	dma.local [hbm:s5], s20  }
0x9e: {  	_ =	swait.ge [sflag:s22], s20  }
0x9f: {  	s4 =	ssub.s32 $0x0, s20;
	[sflag:s22] =	ssyncset.done $0x0  }
0xa0: {  	[sflag:s22] =	ssyncadd.s32 s4;
	_ =	sdelay $0x1  }
0xa1: {  	s23 =	simm.s32 $0x1B8B  }
0xa2: {  	_ =	swait.ge [sflag:s23], $0x1  }
0xa3: {  	[sflag:s23] =	ssyncset.done $0x0  }
0xa4: {  	s25 =	simm.s32 $0x1B8E;
	s24 =	sld [smem:$0x3FFE];
	[sflag:s23] =	ssyncadd.s32 $0xFFFFFFFF  }
0xa5: {  	s26 =	simm.s32 $execute0_lowered;
	[smem:$0x3FD2] =	sst s25  }
0xa6: {  	s5 =	sshll.u32 s26, $0x1;
	_ =	strace $0x80000046;
	[dreg:$0x1] =	wrdreg $0xFFFFFFFF  }
0xa7: {  	s28 =	simm.s32 $_size_execute0_lowered;
	s3 =	sadd.s32 s3, s5;
	[dreg:$0x0] =	wrdreg $0x0  }
0xa8: {  	s5 =	sshll.u32 s28, $0x1;
	[dreg:$0x2] =	wrdreg s3  }
0xa9: {  	[dreg:$0x3] =	wrdreg s5  }
0xaa: {  	[dreg:$0x4] =	wrdreg $0xC0  }
0xab: {  	_ =	task [dreg:s7], $0x5FFFF  }
0xac: {  	[dreg:$0x1] =	wrdreg $0xFFFFFFFF  }
0xad: {  	[dreg:$0x0] =	wrdreg $0x60  }
0xae: {  	[dreg:$0x2] =	wrdreg s2  }
0xaf: {  	[dreg:$0x3] =	wrdreg s24  }
0xb0: {  	[dreg:$0x4] =	wrdreg $0x8B800  }
0xb1: {  	[dreg:$0x5] =	wrdreg $0x9  }
0xb2: {  	_ =	task.clear_ibuf [dreg:s7], $0x6FFFF;
	_ =	strace $0x90000046  }
0xb3: {  	s29 =	simm.s32 $0x9;
	_ =	strace $0x80000048  }
0xb4: {  	_ =	swait.ge [sflag:s29], $0x1  }
0xb5: {  	[sflag:s29] =	ssyncadd.s32 $0xFFFFFFFF  }
0xb6: {  	_ =	strace $0x90000048  }
0xb7: {  	_ =	sfence  }
0xb8: {  	s30 =	sld [smem:$0x0];
	_ =	sdelay $0x2  }
0xb9: {  	s31 =	sshll.u32 s1, $0xD;
	s1 =	sshrl.u32 s1, $0x2  }
0xba: {  	s3 =	sand.u32 $0x4000, s31;
	s1 =	sadd.s32 s1, s30  }
0xbb: {  	s0 =	sor.u32 s3, s0;
	s1 =	sshll.u32 s1, $0x11  }
0xbc: {  	s0 =	sor.u32 s1, s0  }
0xbd: {  	s0 =	sadd.s32 $0x8F2B, s0  }
0xbe: {  	[sflag:s0] =	ssyncadd.remote.s32 $0x1  }
0xbf: {  	_ =	sfence.sel $0xFFFF  }
0xc0: {  	[dreg:$0x0] =	wrdreg $0xFFFFFFFF;
	(pc) =	sbr.abs _section_cstart, $3  }
0xc1: {  	[dreg:$0x1] =	wrdreg $0xFFFFFFFF  }
0xc2: {  	_ =	task.clear_ibuf [dreg:s7], $0x2FFFF;
	_ =	strace $0x9FFFFFFF  }
0xc3: {  	(tm) =	ssettm $0x7FFFFFFF  }
tec
execute0_lowered:
.L_overlay_start_1:
0x0: {  	(tag) =	ssettag $0x1  }
0x1: {  	s1 =	rddreg [dreg:$0x0]  }
0x2: {  	s0 =	rddreg [dreg:$0x1]  }
0x3: {  	s2 =	srdreg.scid;
	s3 =	rddreg [dreg:$0x2]  }
0x4: {  	s13 =	stileid.u32;
	s4 =	simm.s32 $0x0;
	s28 =	simm.s32 $0x3  }
0x5: {  	s29 =	simm.s32 $0x5;
	s30 =	simm.s32 $0x7;
	s18 =	smul.u32 $0x50, s13  }
0x6: {  	s31 =	simm.s32 $0x4;
	s2 =	sand.u32 $0x1, s2;
	s24 =	smul.u32 $0x2800, s13  }
0x7: {  	[smem:$0x7FF] =	sst s4;
	s5 =	sshll.u32 s2, $0x4;
	s6 =	smul.u32 $0x28000, s2  }
0x8: {  	s10 =	ssub.s32 $0x2, s2;
	s2 =	smul.u32 $0x500, s2;
	s5 =	sor.u32 s13, s5  }
0x9: {  	s9 =	sadd.s32 $0x2A00, s0;
	s12 =	sadd.s32 $0x16C00, s0;
	s7 =	smul.u32 $0x50, s5  }
0xa: {  	_ =	strace $0x80000047;
	s16 =	sshrl.u32 s10, $0x1;
	s8 =	smul.u32 $0xA00, s5  }
0xb: {  	s11 =	smul.u32 $0x2800, s5;
	s0 =	sadd.s32 s6, s0;
	s17 =	ssub.s32 s10, s16  }
0xc: {  	s5 =	smul.u32 $0x280, s13;
	s2 =	sadd.s32 s18, s2;
	s18 =	simm.s32 $0x4B80  }
0xd: {  	s21 =	sshll.u32 s2, $0x7;
	s6 =	smax.u32 s17, $0x1;
	s23 =	sshll.u32 s2, $0x5  }
0xe: {  	s2 =	sor.u32 $0x2, s2;
	s0 =	sadd.s32 s24, s0;
	s17 =	simm.s32 $0x80  }
0xf: {  	s24 =	simm.s32 $0x1;
	s8 =	sadd.s32 s9, s8;
	s7 =	sor.u32 $0x1, s7  }
0x10: {  	s19 =	sadd.s32 s12, s11;
	[dreg:$0x8] =	wrdreg s6;
	s22 =	sadd.s32 s21, s12  }
0x11: {  	s6 =	sadd.s32 s23, s9;
	s2 =	sshrl.u32 s2, $0x1;
	s26 =	sadd.s32 $0x66E00, s0  }
0x12: {  	s0 =	sadd.s32 $0xB6E00, s0;
	s21 =	simm.s32 $0x380;
	[dreg:$0x4] =	wrdreg s8  }
0x13: {  	s23 =	simm.s32 $0x780;
	[dreg:$0x5] =	wrdreg s19;
	s20 =	sshll.u32 s7, $0x5  }
0x14: {  	s7 =	sshll.u32 s7, $0x7;
	s11 =	sadd.s32 $0x180, s22;
	s6 =	sadd.s32 $0x60, s6  }
0x15: {  	s25 =	sshll.u32 s2, $0x8;
	s2 =	sshll.u32 s2, $0x6;
	[dreg:$0xb] =	wrdreg s26  }
0x16: {  	[dreg:$0xc] =	wrdreg s0;
	s19 =	simm.s32 $0xA;
	s22 =	simm.s32 $0x280  }
0x17: {  	s26 =	simm.s32 $0x2;
	s0 =	simm.s32 $0x6;
	s10 =	sadd.s32 s9, s20  }
0x18: {  	s7 =	sadd.s32 s12, s7;
	[dreg:$0x9] =	wrdreg s6;
	s13 =	sadd.s32 s25, s12  }
0x19: {  	s2 =	sadd.s32 s2, s9;
	s20 =	simm.s32 $0x180;
	[dreg:$0x7] =	wrdreg s7  }
0x1a: {  	s25 =	simm.s32 $0xB80;
	s9 =	simm.s32 $0x9;
	[dreg:$0xa] =	wrdreg s2  }
0x1b: {  	v0 =	vimm.f32 $0.0e+00;
	v1 =	vlaneseq.u32;
	v2 =	vimm.f32 $1.000000000e+00;
	s2 =	simm.s32 $0x100;
	s7 =	simm.s32 $0x0;
	[dreg:$0x6] =	wrdreg s10  }
.LBB2_1:
0x1c: {  	[dreg:$0xd] =	wrdreg s7;
	s6 =	simm.s32 $0x0;
	s7 =	simm.s32 $0x200  }
.LBB2_2:
0x1d: {  	p0 =	sne.s32 s7, $0xFE00;
	[tilespmem:s6+$0x4BF0] =	vst v0  }
0x1e: {  	[tilespmem:s6+$0x4B80] =	vst v0  }
0x1f: {  	[tilespmem:s6+$0x4B90] =	vst v0  }
.Ltmp0:
0x20: {  	[tilespmem:s6+$0x4BA0] =	vst v0;
	(pc) =	sbr.rel @p0 .LBB2_2-.Ltmp0, $4  }
0x21: {  	[tilespmem:s6+$0x4BB0] =	vst v0  }
0x22: {  	[tilespmem:s6+$0x4BC0] =	vst v0  }
0x23: {  	[tilespmem:s6+$0x4BD0] =	vst v0  }
0x24: {  	[tilespmem:s6+$0x4BE0] =	vst v0;
	s6 =	sshra.s32 s7, $0x2;
	s7 =	sadd.s32 $0x200, s7  }
0x25: {  	[tilespmem:s6+$0x4BF0] =	vst v0  }
0x26: {  	[tilespmem:s6+$0x4B80] =	vst v0  }
0x27: {  	[tilespmem:s6+$0x4B90] =	vst v0  }
0x28: {  	[tilespmem:s6+$0x4BA0] =	vst v0  }
0x29: {  	[tilespmem:s6+$0x4BB0] =	vst v0  }
0x2a: {  	[tilespmem:s6+$0x4BC0] =	vst v0  }
0x2b: {  	[tilespmem:s6+$0x4BD0] =	vst v0;
	s7 =	sadd.s32 $0x0, s5  }
0x2c: {  	[tilespmem:s6+$0x4BE0] =	vst v0;
	v3 =	vor.u32 s7, v1;
	s16 =	sadd.s32 $0x70, s7  }
0x2d: {  	s8 =	sadd.s32 $0x60, s7;
	[tilespmem:$0x0] =	vst v3;
	v3 =	vor.u32 s16, v1  }
0x2e: {  	s15 =	sadd.s32 $0x30, s7;
	v4 =	vor.u32 s8, v1;
	[tilespmem:$0x70] =	vst v3  }
0x2f: {  	s12 =	sadd.s32 $0x50, s7;
	v5 =	vor.u32 s15, v1;
	[tilespmem:$0x60] =	vst v4  }
0x30: {  	s14 =	sadd.s32 $0x40, s7;
	v3 =	vor.u32 s12, v1;
	[tilespmem:$0x30] =	vst v5  }
0x31: {  	s16 =	sadd.s32 $0x20, s7;
	v4 =	vor.u32 s14, v1;
	[tilespmem:$0x50] =	vst v3  }
0x32: {  	s6 =	simm.s32 $0x80;
	s7 =	sadd.s32 $0x10, s7;
	[tilespmem:$0x40] =	vst v4;
	v3 =	vor.u32 s16, v1  }
.LBB2_4:
0x33: {  	p0 =	sne.s32 s6, $0x200;
	v4 =	vor.u32 s7, v1;
	[tilespmem:$0x20] =	vst v3  }
0x34: {  	[tilespmem:$0x10] =	vst v4;
	[spmem:s3] =	stream.indirect.scatter [tilespmem:s18], [sflag:$0xA], $0x80, s4, s17, $0xb8  }
0x35: {  	_ =	swait.ge [sflag:s19], $0x4000  }
0x36: {  	s7 =	sadd.s32 s6, s5;
	[sflag:s19] =	ssyncset.done $0x0  }
0x37: {  	v3 =	vor.u32 s7, v1;
	s8 =	sadd.s32 $0x70, s7;
	[sflag:s19] =	ssyncadd.s32 $0xFFFFC000  }
0x38: {  	s12 =	sadd.s32 $0x60, s7;
	[tilespmem:$0x0] =	vst v3;
	v3 =	vor.u32 s8, v1  }
.Ltmp1:
0x39: {  	v4 =	vor.u32 s12, v1;
	s8 =	sadd.s32 $0x50, s7;
	[tilespmem:$0x70] =	vst v3;
	(pc) =	sbr.rel @p0 .LBB2_4-.Ltmp1, $4  }
0x3a: {  	s12 =	sadd.s32 $0x40, s7;
	v3 =	vor.u32 s8, v1;
	[tilespmem:$0x60] =	vst v4  }
0x3b: {  	s8 =	sadd.s32 $0x30, s7;
	v4 =	vor.u32 s12, v1;
	[tilespmem:$0x50] =	vst v3  }
0x3c: {  	s12 =	sadd.s32 $0x20, s7;
	v5 =	vor.u32 s8, v1;
	[tilespmem:$0x40] =	vst v4  }
0x3d: {  	s6 =	sadd.s32 $0x80, s6;
	s7 =	sadd.s32 $0x10, s7;
	v3 =	vor.u32 s12, v1;
	[tilespmem:$0x30] =	vst v5  }
0x3e: {  	v4 =	vor.u32 s7, v1;
	[tilespmem:$0x20] =	vst v3  }
0x3f: {  	[tilespmem:$0x10] =	vst v4  }
0x40: {  	[spmem:s3] =	stream.indirect.scatter [tilespmem:s18], [sflag:$0xA], $0x80, s4, s17, $0xb8;
	[tilespmem:$0x1CB80] =	vst v63  }
0x41: {  	_ =	swait.ge [sflag:s19], $0x4000  }
0x42: {  	[sflag:s19] =	ssyncset.done $0x0  }
0x43: {  	[sflag:s19] =	ssyncadd.s32 $0xFFFFC000  }
0x44: {  	[bflag:$0x0] =	sbarrier.arrive $0xFFFF  }
0x45: {  	s7 =	simm.s32 $0x0;
	s6 =	rddreg [dreg:$0x4]  }
0x46: {  	[tilespmem:s20], [sflag:$0x1] =	stream.linear.gather [hbm4b:s6+s7], $0x100, $0x38;
	[tilespmem:$0x1CB80] =	vst v63  }
0x47: {  	s14 =	rddreg [dreg:$0x5]  }
0x48: {  	[tilespmem:s21], [sflag:$0x3] =	stream.linear.gather [hbm4b:s14+s7], $0x400, $0x38;
	[tilespmem:$0x1CB80] =	vst v63  }
0x49: {  	_ = 	snop  }
0x4a: {  	[tilespmem:s22], [sflag:$0x2] =	stream.linear.gather [hbm4b:s10+s7], $0x100, $0x38;
	[tilespmem:$0x1CB80] =	vst v63  }
0x4b: {  	s15 =	rddreg [dreg:$0x7]  }
0x4c: {  	[tilespmem:s23], [sflag:$0x4] =	stream.linear.gather [hbm4b:s15+s7], $0x400, $0x38;
	[tilespmem:$0x1CB80] =	vst v63  }
0x4d: {  	_ =	swait.ge [sflag:s24], $0x100  }
0x4e: {  	[sflag:s24] =	ssyncset.done $0x0  }
0x4f: {  	[sflag:s24] =	ssyncadd.s32 $0xFFFFFF00  }
0x50: {  	[tilespmem:s25], [sflag:$0x5] =	stream.indirect.gather [hbm4b:s1+s17], $0x80, s20, s17, $0xb8;
	[tilespmem:$0x1CB80] =	vst v63  }
0x51: {  	_ =	swait.ge [sflag:s26], $0x100  }
0x52: {  	p0 =	por $0x1, $0x1;
	[sflag:s26] =	ssyncset.done $0x0  }
0x53: {  	s6 =	simm.s32 @!p0 $0x8;
	[sflag:s26] =	ssyncadd.s32 $0xFFFFFF00  }
0x54: {  	_ =	swait.ge @!p0 [sflag:s6], $0x4000  }
0x55: {  	[sflag:s6] =	ssyncset.done @!p0 $0x0  }
0x56: {  	[sflag:s6] =	ssyncadd.s32 @!p0 $0xFFFFC000  }
0x57: {  	[tilespmem:s18], [sflag:$0x6] =	stream.indirect.gather [hbm4b:s1+s17], $0x80, s22, s17, $0xb8;
	[tilespmem:$0x1CB80] =	vst v63  }
0x58: {  	_ =	swait.ge [sflag:s28], $0x400  }
0x59: {  	[sflag:s28] =	ssyncset.done $0x0  }
0x5a: {  	[sflag:s28] =	ssyncadd.s32 $0xFFFFFC00  }
0x5b: {  	_ =	swait.ge [sflag:s29], $0x4000  }
0x5c: {  	[sflag:s29] =	ssyncset.done $0x0  }
0x5d: {  	[sflag:s29] =	ssyncadd.s32 $0xFFFFC000  }
0x5e: {  	v3 =	vld [tilespmem:$0x270]  }
0x5f: {  	v4 =	vld [tilespmem:$0x250]  }
0x60: {  	v5 =	vld [tilespmem:$0x260]  }
0x61: {  	v6 =	vld [tilespmem:$0x230]  }
0x62: {  	v7 =	vld [tilespmem:$0x240]  }
0x63: {  	v8 =	vld [tilespmem:$0x200];
	[tilespmem:$0xF0] =	vst v3  }
0x64: {  	v3 =	vld [tilespmem:$0x220];
	[tilespmem:$0xD0] =	vst v4  }
0x65: {  	v4 =	vld [tilespmem:$0x210];
	[tilespmem:$0xE0] =	vst v5  }
0x66: {  	[tilespmem:$0xB0] =	vst v6  }
0x67: {  	[tilespmem:$0xC0] =	vst v7  }
0x68: {  	[tilespmem:$0x80] =	vst v8  }
0x69: {  	[tilespmem:$0xA0] =	vst v3  }
0x6a: {  	[tilespmem:$0x90] =	vst v4  }
0x6b: {  	[spmem:s3] =	stream.indirect.scatter.add.f32 [tilespmem:s25], [sflag:$0x7], $0x80, s17, s17, $0xb8;
	[tilespmem:$0x1CB80] =	vst v63  }
0x6c: {  	s14 =	rddreg [dreg:$0xa]  }
0x6d: {  	[tilespmem:s20], [sflag:$0x1] =	stream.linear.gather [hbm4b:s14+s4], $0x100, $0x38;
	[tilespmem:$0x1CB80] =	vst v63  }
0x6e: {  	s16 =	sadd.s32 $0x0, s13  }
0x6f: {  	[tilespmem:s21], [sflag:$0x3] =	stream.linear.gather [hbm4b:s16+s4], $0x400, $0x38;
	[tilespmem:$0x1CB80] =	vst v63  }
0x70: {  	_ =	swait.ge [sflag:s24], $0x100  }
0x71: {  	[sflag:s24] =	ssyncset.done $0x0  }
0x72: {  	[sflag:s24] =	ssyncadd.s32 $0xFFFFFF00  }
0x73: {  	_ =	swait.ge [sflag:s30], $0x4000  }
0x74: {  	[sflag:s30] =	ssyncset.done $0x0  }
0x75: {  	[sflag:s30] =	ssyncadd.s32 $0xFFFFC000  }
0x76: {  	[tilespmem:s25], [sflag:$0x5] =	stream.indirect.gather [hbm4b:s1+s17], $0x80, s20, s17, $0xb8;
	[tilespmem:$0x1CB80] =	vst v63  }
0x77: {  	_ =	swait.ge [sflag:s31], $0x400  }
0x78: {  	[sflag:s31] =	ssyncset.done $0x0  }
0x79: {  	[sflag:s31] =	ssyncadd.s32 $0xFFFFFC00  }
0x7a: {  	_ =	swait.ge [sflag:s0], $0x4000  }
0x7b: {  	[sflag:s0] =	ssyncset.done $0x0  }
0x7c: {  	[sflag:s0] =	ssyncadd.s32 $0xFFFFC000  }
0x7d: {  	v5 =	vld [tilespmem:$0x300]  }
0x7e: {  	s12 =	rddreg [dreg:$0x9];
	v4 =	vld [tilespmem:$0x350]  }
0x7f: {  	s8 =	simm.s32 $0x100;
	s6 =	smov.u32 s12;
	v3 =	vld [tilespmem:$0x370]  }
.LBB2_6:
0x80: {  	s6 =	sadd.s32 $0x40, s6  }
0x81: {  	v6 =	vld [tilespmem:$0x360];
	s14 =	sadd.s32 $0x40, s14;
	s15 =	smov.u32 s8;
	s8 =	sadd.s32 $0x100, s8  }
0x82: {  	p0 =	sne.s32 s8, $0x2800;
	v7 =	vld [tilespmem:$0x320]  }
0x83: {  	[tilespmem:$0x100] =	vst v5;
	v5 =	vld [tilespmem:$0x330]  }
0x84: {  	v8 =	vld [tilespmem:$0x310];
	[tilespmem:$0x150] =	vst v4  }
0x85: {  	v4 =	vld [tilespmem:$0x340];
	[tilespmem:$0x170] =	vst v3  }
0x86: {  	[tilespmem:$0x160] =	vst v6  }
0x87: {  	[tilespmem:$0x120] =	vst v7  }
0x88: {  	[tilespmem:$0x130] =	vst v5  }
0x89: {  	[tilespmem:$0x110] =	vst v8  }
0x8a: {  	[tilespmem:$0x140] =	vst v4  }
0x8b: {  	[spmem:s3] =	stream.indirect.scatter.add.f32 [tilespmem:s18], [sflag:$0x8], $0x80, s2, s17, $0xb8;
	[tilespmem:$0x1CB80] =	vst v63  }
0x8c: {  	s16 =	sadd.s32 s7, s11;
	s7 =	smov.u32 s15  }
0x8d: {  	[tilespmem:s22], [sflag:$0x2] =	stream.linear.gather [hbm4b:s12+s4], $0x100, $0x38;
	[tilespmem:$0x1CB80] =	vst v63  }
0x8e: {  	s12 =	smov.u32 s6  }
0x8f: {  	[tilespmem:s23], [sflag:$0x4] =	stream.linear.gather [hbm4b:s16+s4], $0x400, $0x38;
	[tilespmem:$0x1CB80] =	vst v63  }
0x90: {  	_ =	swait.ge [sflag:s26], $0x100  }
0x91: {  	p1 =	seq.s32 s7, $0x0;
	[sflag:s26] =	ssyncset.done $0x0  }
0x92: {  	s15 =	simm.s32 @!p1 $0x8;
	[sflag:s26] =	ssyncadd.s32 $0xFFFFFF00  }
0x93: {  	_ =	swait.ge @!p1 [sflag:s15], $0x4000  }
0x94: {  	[sflag:s15] =	ssyncset.done @!p1 $0x0  }
0x95: {  	[sflag:s15] =	ssyncadd.s32 @!p1 $0xFFFFC000  }
0x96: {  	[tilespmem:s18], [sflag:$0x6] =	stream.indirect.gather [hbm4b:s1+s17], $0x80, s22, s17, $0xb8;
	[tilespmem:$0x1CB80] =	vst v63  }
0x97: {  	_ =	swait.ge [sflag:s28], $0x400  }
0x98: {  	[sflag:s28] =	ssyncset.done $0x0  }
0x99: {  	[sflag:s28] =	ssyncadd.s32 $0xFFFFFC00  }
0x9a: {  	_ =	swait.ge [sflag:s29], $0x4000  }
0x9b: {  	[sflag:s29] =	ssyncset.done $0x0  }
0x9c: {  	[sflag:s29] =	ssyncadd.s32 $0xFFFFC000  }
0x9d: {  	v3 =	vld [tilespmem:$0x270]  }
0x9e: {  	v4 =	vld [tilespmem:$0x250]  }
0x9f: {  	v5 =	vld [tilespmem:$0x260]  }
0xa0: {  	v6 =	vld [tilespmem:$0x230]  }
0xa1: {  	v7 =	vld [tilespmem:$0x240]  }
0xa2: {  	v8 =	vld [tilespmem:$0x200];
	[tilespmem:$0xF0] =	vst v3  }
0xa3: {  	v3 =	vld [tilespmem:$0x220];
	[tilespmem:$0xD0] =	vst v4  }
0xa4: {  	v4 =	vld [tilespmem:$0x210];
	[tilespmem:$0xE0] =	vst v5  }
0xa5: {  	[tilespmem:$0xB0] =	vst v6  }
0xa6: {  	[tilespmem:$0xC0] =	vst v7  }
0xa7: {  	[tilespmem:$0x80] =	vst v8  }
0xa8: {  	[tilespmem:$0xA0] =	vst v3  }
0xa9: {  	[tilespmem:$0x90] =	vst v4  }
0xaa: {  	[spmem:s3] =	stream.indirect.scatter.add.f32 [tilespmem:s25], [sflag:$0x7], $0x80, s17, s17, $0xb8;
	[tilespmem:$0x1CB80] =	vst v63  }
0xab: {  	_ = 	snop  }
0xac: {  	[tilespmem:s20], [sflag:$0x1] =	stream.linear.gather [hbm4b:s14+s4], $0x100, $0x38;
	[tilespmem:$0x1CB80] =	vst v63  }
0xad: {  	s15 =	sadd.s32 s7, s13  }
0xae: {  	[tilespmem:s21], [sflag:$0x3] =	stream.linear.gather [hbm4b:s15+s4], $0x400, $0x38;
	[tilespmem:$0x1CB80] =	vst v63  }
0xaf: {  	_ =	swait.ge [sflag:s24], $0x100  }
0xb0: {  	[sflag:s24] =	ssyncset.done $0x0  }
0xb1: {  	[sflag:s24] =	ssyncadd.s32 $0xFFFFFF00  }
0xb2: {  	_ =	swait.ge [sflag:s30], $0x4000  }
0xb3: {  	[sflag:s30] =	ssyncset.done $0x0  }
0xb4: {  	[sflag:s30] =	ssyncadd.s32 $0xFFFFC000  }
0xb5: {  	[tilespmem:s25], [sflag:$0x5] =	stream.indirect.gather [hbm4b:s1+s17], $0x80, s20, s17, $0xb8;
	[tilespmem:$0x1CB80] =	vst v63  }
0xb6: {  	_ =	swait.ge [sflag:s31], $0x400  }
0xb7: {  	[sflag:s31] =	ssyncset.done $0x0  }
0xb8: {  	[sflag:s31] =	ssyncadd.s32 $0xFFFFFC00  }
0xb9: {  	_ =	swait.ge [sflag:s0], $0x4000  }
.Ltmp2:
0xba: {  	[sflag:s0] =	ssyncset.done $0x0;
	(pc) =	sbr.rel @p0 .LBB2_6-.Ltmp2, $4  }
0xbb: {  	[sflag:s0] =	ssyncadd.s32 $0xFFFFC000  }
0xbc: {  	v5 =	vld [tilespmem:$0x300]  }
0xbd: {  	v4 =	vld [tilespmem:$0x350]  }
0xbe: {  	v3 =	vld [tilespmem:$0x370]  }
0xbf: {  	v6 =	vld [tilespmem:$0x360]  }
0xc0: {  	v7 =	vld [tilespmem:$0x320]  }
0xc1: {  	v62 =	vld [tilespmem:$0x330];
	[tilespmem:$0x100] =	vst v5  }
0xc2: {  	v8 =	vld [tilespmem:$0x310];
	[tilespmem:$0x150] =	vst v4  }
0xc3: {  	v63 =	vld [tilespmem:$0x340];
	[tilespmem:$0x170] =	vst v3  }
0xc4: {  	[tilespmem:$0x160] =	vst v6  }
0xc5: {  	[tilespmem:$0x120] =	vst v7  }
0xc6: {  	[tilespmem:$0x130] =	vst v62  }
0xc7: {  	[tilespmem:$0x110] =	vst v8  }
0xc8: {  	[tilespmem:$0x140] =	vst v63  }
0xc9: {  	[spmem:s3] =	stream.indirect.scatter.add.f32 [tilespmem:s18], [sflag:$0x8], $0x80, s2, s17, $0xb8;
	[tilespmem:$0x1CB80] =	vst v63  }
0xca: {  	_ = 	snop  }
0xcb: {  	[tilespmem:s22], [sflag:$0x2] =	stream.linear.gather [hbm4b:s12+s4], $0x100, $0x38;
	[tilespmem:$0x1CB80] =	vst v63  }
0xcc: {  	s6 =	sadd.s32 s7, s11  }
0xcd: {  	[tilespmem:s23], [sflag:$0x4] =	stream.linear.gather [hbm4b:s6+s4], $0x400, $0x38;
	[tilespmem:$0x1CB80] =	vst v63  }
0xce: {  	_ =	swait.ge [sflag:s29], $0x4000  }
0xcf: {  	[sflag:s29] =	ssyncset.done $0x0  }
0xd0: {  	[sflag:s29] =	ssyncadd.s32 $0xFFFFC000  }
0xd1: {  	_ =	swait.ge [sflag:s26], $0x100  }
0xd2: {  	[sflag:s26] =	ssyncset.done $0x0  }
0xd3: {  	[sflag:s26] =	ssyncadd.s32 $0xFFFFFF00  }
0xd4: {  	_ =	swait.ge [sflag:s28], $0x400  }
0xd5: {  	[sflag:s28] =	ssyncset.done $0x0  }
0xd6: {  	[sflag:s28] =	ssyncadd.s32 $0xFFFFFC00  }
0xd7: {  	_ =	swait.ge [sflag:s31], $0x400  }
0xd8: {  	[sflag:s31] =	ssyncset.done $0x0  }
0xd9: {  	s16 =	simm.s32 $0x8;
	[sflag:s31] =	ssyncadd.s32 $0xFFFFFC00  }
0xda: {  	_ =	swait.ge [sflag:s16], $0x4000  }
0xdb: {  	[sflag:s16] =	ssyncset.done $0x0  }
0xdc: {  	[sflag:s16] =	ssyncadd.s32 $0xFFFFC000  }
0xdd: {  	s7 =	simm.s32 $0x200;
	s6 =	simm.s32 $0x0;
	[bflag:$0x0] =	sbarrier.arrive $0xFFFF  }
.LBB2_8:
0xde: {  	p0 =	sne.s32 s7, $0xFE00;
	[tilespmem:s6+$0x4BF0] =	vst v0  }
0xdf: {  	[tilespmem:s6+$0x4B80] =	vst v0  }
0xe0: {  	[tilespmem:s6+$0x4B90] =	vst v0  }
.Ltmp3:
0xe1: {  	[tilespmem:s6+$0x4BA0] =	vst v0;
	(pc) =	sbr.rel @p0 .LBB2_8-.Ltmp3, $4  }
0xe2: {  	[tilespmem:s6+$0x4BB0] =	vst v0  }
0xe3: {  	[tilespmem:s6+$0x4BC0] =	vst v0  }
0xe4: {  	[tilespmem:s6+$0x4BD0] =	vst v0  }
0xe5: {  	[tilespmem:s6+$0x4BE0] =	vst v0;
	s6 =	sshra.s32 s7, $0x2;
	s7 =	sadd.s32 $0x200, s7  }
0xe6: {  	[tilespmem:s6+$0x4BF0] =	vst v0  }
0xe7: {  	[tilespmem:s6+$0x4B80] =	vst v0  }
0xe8: {  	[tilespmem:s6+$0x4B90] =	vst v0  }
0xe9: {  	[tilespmem:s6+$0x4BA0] =	vst v0  }
0xea: {  	[tilespmem:s6+$0x4BB0] =	vst v0  }
0xeb: {  	[tilespmem:s6+$0x4BC0] =	vst v0  }
0xec: {  	[tilespmem:s6+$0x4BD0] =	vst v0;
	s7 =	sadd.s32 $0x0, s5  }
0xed: {  	[tilespmem:s6+$0x4BE0] =	vst v0;
	v3 =	vor.u32 s7, v1;
	s8 =	sadd.s32 $0x10, s7  }
0xee: {  	s15 =	sadd.s32 $0x40, s7;
	[tilespmem:$0x0] =	vst v3;
	v3 =	vor.u32 s8, v1  }
0xef: {  	s12 =	sadd.s32 $0x70, s7;
	v62 =	vor.u32 s15, v1;
	[tilespmem:$0x10] =	vst v3  }
0xf0: {  	s8 =	sadd.s32 $0x20, s7;
	v3 =	vor.u32 s12, v1;
	[tilespmem:$0x40] =	vst v62  }
0xf1: {  	s14 =	sadd.s32 $0x50, s7;
	s16 =	sadd.s32 $0x60, s7;
	s7 =	sadd.s32 $0x30, s7;
	v4 =	vor.u32 s8, v1;
	[tilespmem:$0x70] =	vst v3  }
0xf2: {  	v63 =	vor.u32 s7, v1;
	[tilespmem:$0x20] =	vst v4  }
0xf3: {  	v3 =	vor.u32 s14, v1;
	[tilespmem:$0x30] =	vst v63  }
0xf4: {  	[tilespmem:$0x50] =	vst v3;
	v3 =	vor.u32 s16, v1  }
0xf5: {  	[tilespmem:$0x60] =	vst v3  }
0xf6: {  	[tilespmem:s25], [sflag:$0x9] =	stream.indirect.gather [spmem:s3], $0x80, s4, s17, $0xb8;
	[tilespmem:$0x1CB80] =	vst v63  }
0xf7: {  	_ =	swait.ge [sflag:s9], $0x4000  }
0xf8: {  	[sflag:s9] =	ssyncset.done $0x0  }
0xf9: {  	s6 =	simm.s32 $0x80;
	s7 =	rddreg [dreg:$0xb];
	[sflag:s9] =	ssyncadd.s32 $0xFFFFC000  }
0xfa: {  	[hbm4b:s7+s4] =	stream.linear.scatter [tilespmem:s25], [sflag:$0xA], $0x4000, $0x38;
	[tilespmem:$0x1CB80] =	vst v63  }
.LBB2_10:
0xfb: {  	p0 =	sne.s32 s6, $0x200;
	_ =	swait.ge [sflag:s19], $0x4000;
	s7 =	sadd.s32 $0x800, s7  }
0xfc: {  	s8 =	smov.u32 s6;
	s6 =	sadd.s32 $0x80, s6;
	[sflag:s19] =	ssyncset.done $0x0  }
0xfd: {  	[sflag:s19] =	ssyncadd.s32 $0xFFFFC000  }
0xfe: {  	[spmem:s3] =	stream.indirect.scatter [tilespmem:s18], [sflag:$0xA], $0x80, s4, s17, $0xb8;
	[tilespmem:$0x1CB80] =	vst v63  }
0xff: {  	_ =	swait.ge [sflag:s19], $0x4000  }
0x100: {  	s8 =	sadd.s32 s8, s5;
	[sflag:s19] =	ssyncset.done $0x0  }
0x101: {  	v3 =	vor.u32 s8, v1;
	s12 =	sadd.s32 $0x10, s8;
	s14 =	sadd.s32 $0x20, s8;
	[sflag:s19] =	ssyncadd.s32 $0xFFFFC000  }
0x102: {  	s15 =	sadd.s32 $0x70, s8;
	v4 =	vor.u32 s14, v1;
	s14 =	sadd.s32 $0x50, s8;
	[tilespmem:$0x0] =	vst v3;
	v3 =	vor.u32 s12, v1;
	s12 =	sadd.s32 $0x40, s8  }
0x103: {  	s16 =	sadd.s32 $0x30, s8;
	v6 =	vor.u32 s15, v1;
	v5 =	vor.u32 s14, v1;
	s8 =	sadd.s32 $0x60, s8;
	[tilespmem:$0x10] =	vst v3;
	v3 =	vor.u32 s12, v1  }
0x104: {  	v7 =	vor.u32 s16, v1;
	v8 =	vor.u32 s8, v1;
	[tilespmem:$0x70] =	vst v6  }
0x105: {  	[tilespmem:$0x20] =	vst v4  }
0x106: {  	[tilespmem:$0x50] =	vst v5  }
0x107: {  	[tilespmem:$0x40] =	vst v3  }
0x108: {  	[tilespmem:$0x60] =	vst v8  }
0x109: {  	[tilespmem:$0x30] =	vst v7  }
0x10a: {  	[tilespmem:s25], [sflag:$0x9] =	stream.indirect.gather [spmem:s3], $0x80, s4, s17, $0xb8;
	[tilespmem:$0x1CB80] =	vst v63  }
.Ltmp4:
0x10b: {  	_ = 	snop;
	(pc) =	sbr.rel @p0 .LBB2_10-.Ltmp4, $4  }
0x10c: {  	_ =	swait.ge [sflag:s9], $0x4000  }
0x10d: {  	[sflag:s9] =	ssyncset.done $0x0  }
0x10e: {  	[sflag:s9] =	ssyncadd.s32 $0xFFFFC000  }
0x10f: {  	[hbm4b:s7+s4] =	stream.linear.scatter [tilespmem:s25], [sflag:$0xA], $0x4000, $0x38;
	[tilespmem:$0x1CB80] =	vst v63  }
0x110: {  	_ =	swait.ge [sflag:s19], $0x4000  }
0x111: {  	[sflag:s19] =	ssyncset.done $0x0  }
0x112: {  	[sflag:s19] =	ssyncadd.s32 $0xFFFFC000  }
0x113: {  	[spmem:s3] =	stream.indirect.scatter [tilespmem:s18], [sflag:$0xA], $0x80, s4, s17, $0xb8;
	[tilespmem:$0x1CB80] =	vst v63  }
0x114: {  	_ =	swait.ge [sflag:s19], $0x4000  }
0x115: {  	[sflag:s19] =	ssyncset.done $0x0  }
0x116: {  	[sflag:s19] =	ssyncadd.s32 $0xFFFFC000  }
0x117: {  	s6 =	simm.s32 $0x0;
	s7 =	simm.s32 $0x200;
	[bflag:$0x0] =	sbarrier.arrive $0xFFFF  }
.LBB2_12:
0x118: {  	p0 =	sne.s32 s7, $0xFE00;
	[tilespmem:s6+$0x4BF0] =	vst v2  }
0x119: {  	[tilespmem:s6+$0x4B80] =	vst v2  }
0x11a: {  	[tilespmem:s6+$0x4B90] =	vst v2  }
.Ltmp5:
0x11b: {  	[tilespmem:s6+$0x4BA0] =	vst v2;
	(pc) =	sbr.rel @p0 .LBB2_12-.Ltmp5, $4  }
0x11c: {  	[tilespmem:s6+$0x4BB0] =	vst v2  }
0x11d: {  	[tilespmem:s6+$0x4BC0] =	vst v2  }
0x11e: {  	[tilespmem:s6+$0x4BD0] =	vst v2  }
0x11f: {  	[tilespmem:s6+$0x4BE0] =	vst v2;
	s6 =	sshra.s32 s7, $0x2;
	s7 =	sadd.s32 $0x200, s7  }
0x120: {  	[tilespmem:s6+$0x4BF0] =	vst v2  }
0x121: {  	[tilespmem:s6+$0x4B80] =	vst v2  }
0x122: {  	[tilespmem:s6+$0x4B90] =	vst v2  }
0x123: {  	[tilespmem:s6+$0x4BA0] =	vst v2  }
0x124: {  	[tilespmem:s6+$0x4BB0] =	vst v2  }
0x125: {  	[tilespmem:s6+$0x4BC0] =	vst v2  }
0x126: {  	[tilespmem:s6+$0x4BD0] =	vst v2  }
0x127: {  	[tilespmem:s6+$0x4BE0] =	vst v2;
	s8 =	simm.s32 $0x0;
	s7 =	rddreg [dreg:$0x4]  }
0x128: {  	[tilespmem:s20], [sflag:$0x1] =	stream.linear.gather [hbm4b:s7+s8], $0x100, $0x38;
	[tilespmem:$0x1CB80] =	vst v63  }
0x129: {  	_ = 	snop  }
0x12a: {  	[tilespmem:s22], [sflag:$0x2] =	stream.linear.gather [hbm4b:s10+s8], $0x100, $0x38;
	[tilespmem:$0x1CB80] =	vst v63  }
0x12b: {  	_ =	swait.ge [sflag:s24], $0x100  }
0x12c: {  	[sflag:s24] =	ssyncset.done $0x0  }
0x12d: {  	[sflag:s24] =	ssyncadd.s32 $0xFFFFFF00  }
0x12e: {  	_ =	swait.ge [sflag:s26], $0x100  }
0x12f: {  	[sflag:s26] =	ssyncset.done $0x0  }
0x130: {  	s6 =	sadd.s32 $0x0, s5;
	[sflag:s26] =	ssyncadd.s32 $0xFFFFFF00  }
0x131: {  	v3 =	vor.u32 s6, v1;
	s8 =	sadd.s32 $0x20, s6;
	[bflag:$0x0] =	sbarrier.arrive $0xFFFF  }
0x132: {  	s12 =	sadd.s32 $0x70, s6;
	s14 =	sadd.s32 $0x50, s6;
	s15 =	sadd.s32 $0x40, s6;
	v4 =	vor.u32 s8, v1;
	[tilespmem:$0x0] =	vst v3  }
0x133: {  	s16 =	sadd.s32 $0x60, s6;
	v62 =	vor.u32 s15, v1;
	s10 =	sadd.s32 $0x10, s6;
	s6 =	sadd.s32 $0x30, s6;
	[tilespmem:$0x20] =	vst v4  }
0x134: {  	v63 =	vor.u32 s6, v1;
	[tilespmem:$0x40] =	vst v62  }
0x135: {  	v3 =	vor.u32 s10, v1;
	[tilespmem:$0x30] =	vst v63  }
0x136: {  	[tilespmem:$0x10] =	vst v3;
	v3 =	vor.u32 s12, v1  }
0x137: {  	[tilespmem:$0x70] =	vst v3;
	v3 =	vor.u32 s14, v1  }
0x138: {  	s7 =	rddreg [dreg:$0xc];
	[tilespmem:$0x50] =	vst v3;
	v3 =	vor.u32 s16, v1  }
0x139: {  	s6 =	simm.s32 $0x80;
	s8 =	smov.u32 s7;
	[tilespmem:$0x60] =	vst v3  }
0x13a: {  	[tilespmem:s25], [sflag:$0x9] =	stream.indirect.gather [spmem:s3], $0x80, s4, s17, $0xb8;
	[tilespmem:$0x1CB80] =	vst v63  }
.LBB2_14:
0x13b: {  	p0 =	sne.s32 s6, $0x200;
	_ =	swait.ge [sflag:s9], $0x4000;
	s8 =	sadd.s32 $0x800, s8  }
0x13c: {  	s12 =	smov.u32 s6;
	s6 =	sadd.s32 $0x80, s6;
	[sflag:s9] =	ssyncset.done $0x0  }
0x13d: {  	[sflag:s9] =	ssyncadd.s32 $0xFFFFC000  }
0x13e: {  	[hbm4b:s7+s4] =	stream.linear.scatter [tilespmem:s25], [sflag:$0xA], $0x4000, $0x38;
	[tilespmem:$0x1CB80] =	vst v63  }
0x13f: {  	s7 =	smov.u32 s8;
	_ =	swait.ge [sflag:s19], $0x4000  }
0x140: {  	s12 =	sadd.s32 s12, s5;
	[sflag:s19] =	ssyncset.done $0x0  }
0x141: {  	v3 =	vor.u32 s12, v1;
	s14 =	sadd.s32 $0x10, s12;
	s15 =	sadd.s32 $0x20, s12;
	[sflag:s19] =	ssyncadd.s32 $0xFFFFC000  }
0x142: {  	s16 =	sadd.s32 $0x70, s12;
	v4 =	vor.u32 s15, v1;
	s15 =	sadd.s32 $0x50, s12;
	[tilespmem:$0x0] =	vst v3;
	v3 =	vor.u32 s14, v1;
	s14 =	sadd.s32 $0x40, s12  }
0x143: {  	s10 =	sadd.s32 $0x30, s12;
	v6 =	vor.u32 s16, v1;
	v5 =	vor.u32 s15, v1;
	s12 =	sadd.s32 $0x60, s12;
	[tilespmem:$0x10] =	vst v3;
	v3 =	vor.u32 s14, v1  }
0x144: {  	v7 =	vor.u32 s10, v1;
	v8 =	vor.u32 s12, v1;
	[tilespmem:$0x70] =	vst v6  }
0x145: {  	[tilespmem:$0x20] =	vst v4  }
.Ltmp6:
0x146: {  	[tilespmem:$0x50] =	vst v5;
	(pc) =	sbr.rel @p0 .LBB2_14-.Ltmp6, $4  }
0x147: {  	[tilespmem:$0x40] =	vst v3  }
0x148: {  	[tilespmem:$0x60] =	vst v8  }
0x149: {  	[tilespmem:$0x30] =	vst v7  }
0x14a: {  	[tilespmem:s25], [sflag:$0x9] =	stream.indirect.gather [spmem:s3], $0x80, s4, s17, $0xb8;
	[tilespmem:$0x1CB80] =	vst v63  }
0x14b: {  	_ =	swait.ge [sflag:s9], $0x4000  }
0x14c: {  	[sflag:s9] =	ssyncset.done $0x0  }
0x14d: {  	[sflag:s9] =	ssyncadd.s32 $0xFFFFC000  }
0x14e: {  	[hbm4b:s7+s4] =	stream.linear.scatter [tilespmem:s25], [sflag:$0xA], $0x4000, $0x38;
	[tilespmem:$0x1CB80] =	vst v63  }
0x14f: {  	_ =	swait.ge [sflag:s19], $0x4000  }
0x150: {  	s16 =	rddreg [dreg:$0xd]  }
0x151: {  	s6 =	rddreg [dreg:$0x8];
	s7 =	sadd.s32 $0x1, s16  }
0x152: {  	p0 =	sne.s32 s7, s6  }
.Ltmp7:
0x153: {  	_ = 	snop;
	(pc) =	sbr.rel @p0 .LBB2_1-.Ltmp7, $3  }
0x154: {  	_ =	sdelay $0x1  }
0x155: {  	[sflag:s19] =	ssyncset.done $0x0  }
0x156: {  	s10 =	rddreg [dreg:$0x6];
	[sflag:s19] =	ssyncadd.s32 $0xFFFFC000  }
0x157: {  	_ =	sfence.sel $0x180000  }
0x158: {  	[bflag:$0x0] =	sbarrier.arrive $0xFFFF  }
0x159: {  	_ =	strace $0x90000047  }
0x15a: {  	s0 =	stileid.u32;
	[bflag:$0x2] =	sbarrier.arrive $0xFFFF  }
0x15b: {  	p0 =	sne.s32 s0, $0x0;
	s0 =	rddreg [dreg:$0x3]  }
0x15c: {  	s0 =	sadd.s32 @!p0 $0x100000, s0  }
0x15d: {  	[sflag:s0] =	ssyncadd.tile.s32 @!p0 $0x1;
	_ =	shalt  }
.Lfunc_end2:
_tile_overlayer_lowered:
.L_overlay_start_2:
0x15e: {  	(tag) =	ssettag $0x2  }
0x15f: {  	s0 =	rddreg [dreg:$0x0];
	s2 =	stileid.u32  }
0x160: {  	s1 =	rddreg [dreg:$0x1];
	p0 =	sne.s32 s2, $0x0  }
0x161: {  	s3 =	rddreg [dreg:$0x2];
	[bflag:$0x3] =	sbarrier.arrive $0xFFFF;
	s2 =	simm.s32 @!p0 $0x1C0A  }
0x162: {  	[timem:s3], [sflag:s2] =	dma.local @!p0 [hbm:s0], s1  }
0x163: {  	s0 =	simm.s32 @!p0 $0xA  }
0x164: {  	_ =	swait.ge @!p0 [sflag:s0], s1  }
0x165: {  	s1 =	ssub.s32 @!p0 $0x0, s1;
	[sflag:s0] =	ssyncset.done @!p0 $0x0  }
0x166: {  	[sflag:s0] =	ssyncadd.s32 @!p0 s1  }
0x167: {  	[bflag:$0x3] =	sbarrier.arrive $0xFFFF  }
0x168: {  	_ =	shalt  }

</sc_bundles>
